<compile_context>
chip_gen: v7x
topology: tpu7x:2x2x1
jax: 0.10.2.dev20260603
libtpu: 0.0.44.dev20260713+nightly
codegen_flags: <defaults>
</compile_context>

<pallas_src>
import functools

import jax
import jax.numpy as jnp
from jax import lax
from jax.experimental import pallas as pl
from jax.experimental.pallas import tpu as pltpu
from jax.experimental.pallas import tpu_sc as plsc

B, C = 128, 8192
ENC, HID, TOK = 256, 512, 64
KTOP = 64

NC, NS, L = 2, 16, 16
NW = NC * NS
ROWS_PER_W = B // NW
CHUNK = 128
NCHUNK = C // CHUNK
NGRP = CHUNK // L


def _mlp_body(enc_ref, w1t_ref, b1_ref, w2t_ref, q_ref):
    h = jnp.dot(enc_ref[...], w1t_ref[...], preferred_element_type=jnp.float32)
    h = h + b1_ref[...]
    h = h * 0.5 * (1.0 + lax.erf(h * (2.0 ** -0.5)))
    q_ref[...] = jnp.dot(h, w2t_ref[...], preferred_element_type=jnp.float32)


def _mlp(enc_vec, w1t, b1row, w2t):
    return pl.pallas_call(
        _mlp_body,
        out_shape=jax.ShapeDtypeStruct((B, TOK), jnp.float32),
    )(enc_vec, w1t, b1row, w2t)


def _sc_partials_kernel(q_hbm, cand_hbm, emb_hbm, out_hbm,
                        q_v, cand_v, rows0, rows1, rows2, rows3, p0, p1,
                        semg0, semg1, semg2, semg3, semp0, semp1):
    wid = lax.axis_index("s") * NC + lax.axis_index("c")

    def do_row(r, _):
        b = wid * ROWS_PER_W + r
        pltpu.sync_copy(q_hbm.at[pl.ds(b * TOK, TOK)], q_v.at[pl.ds(0, TOK)])
        pltpu.sync_copy(cand_hbm.at[pl.ds(b * C, C)], cand_v)
        qc = [q_v[pl.ds(i * L, L)] for i in range(TOK // L)]

        def gather(j, buf, sem):
            idx = cand_v.at[pl.ds(j * CHUNK, CHUNK)]
            return pltpu.make_async_copy(emb_hbm.at[idx], buf, sem)

        def pcopy(j, pbuf, sem):
            return pltpu.make_async_copy(
                pbuf,
                out_hbm.at[pl.ds((b * C + j * CHUNK) * L, CHUNK * L)],
                sem)

        def compute(buf, pbuf):
            def cstep(ci, _):
                for u in range(4):
                    c = ci * 4 + u
                    a = [buf[c, pl.ds(i * L, L)] * qc[i]
                         for i in range(TOK // L)]
                    pbuf[pl.ds(c * L, L)] = (a[0] + a[2]) + (a[1] + a[3])
                return 0

            lax.fori_loop(0, CHUNK // 4, cstep, 0)

        bufs = (rows0, rows1, rows2, rows3)
        semgs = (semg0, semg1, semg2, semg3)
        pbufs = (p0, p1)
        semps = (semp0, semp1)
        for k in range(4):
            gather(k, bufs[k], semgs[k]).start()

        def outer(i, _):
            j4 = i * 4
            for k in range(4):
                j = j4 + k
                gather(j, bufs[k], semgs[k]).wait()

                @pl.when(j >= 2)
                def _():
                    pcopy(j, pbufs[k % 2], semps[k % 2]).wait()

                compute(bufs[k], pbufs[k % 2])

                @pl.when(j + 4 < NCHUNK)
                def _():
                    gather(j + 4, bufs[k], semgs[k]).start()

                pcopy(j, pbufs[k % 2], semps[k % 2]).start()
            return 0

        lax.fori_loop(0, NCHUNK // 4, outer, 0)
        pcopy(0, p0, semp0).wait()
        pcopy(1, p1, semp1).wait()
        return 0

    lax.fori_loop(0, ROWS_PER_W, do_row, 0)


def _sc_partials(q, cand_tok, tok_emb):
    mesh = plsc.VectorSubcoreMesh(core_axis_name="c", subcore_axis_name="s")
    kern = functools.partial(
        pl.kernel,
        mesh=mesh,
        compiler_params=pltpu.CompilerParams(use_tc_tiling_on_sc=False),
        out_type=jax.ShapeDtypeStruct((B * C * L,), jnp.float32),
        scratch_types=[
            pltpu.VMEM((2 * TOK,), jnp.float32),
            pltpu.VMEM((C,), jnp.int32),
            pltpu.VMEM((CHUNK, TOK), jnp.float32),
            pltpu.VMEM((CHUNK, TOK), jnp.float32),
            pltpu.VMEM((CHUNK, TOK), jnp.float32),
            pltpu.VMEM((CHUNK, TOK), jnp.float32),
            pltpu.VMEM((CHUNK * L,), jnp.float32),
            pltpu.VMEM((CHUNK * L,), jnp.float32),
            pltpu.SemaphoreType.DMA,
            pltpu.SemaphoreType.DMA,
            pltpu.SemaphoreType.DMA,
            pltpu.SemaphoreType.DMA,
            pltpu.SemaphoreType.DMA,
            pltpu.SemaphoreType.DMA,
        ],
    )(_sc_partials_kernel)
    return kern(q.reshape(-1), cand_tok.reshape(-1), tok_emb)


RROWS = 2048


def _reduce16_body(p_ref, lg_ref):
    s = p_ref[...]
    for d in (8, 4, 2, 1):
        s = s + pltpu.roll(s, 8 * L - d, 1)
    sel = (lax.broadcasted_iota(jnp.int32, (8 * L, 8), 0)
           == L * lax.broadcasted_iota(jnp.int32, (8 * L, 8), 1))
    lg_ref[...] = jax.lax.dot_general(
        s, sel.astype(jnp.float32),
        (((1,), (0,)), ((), ())),
        precision=lax.Precision.HIGHEST,
        preferred_element_type=jnp.float32)


def _reduce16(partials_flat):
    n = B * C // 8
    p2 = partials_flat.reshape(n, 8 * L)
    out = pl.pallas_call(
        _reduce16_body,
        grid=(n // RROWS,),
        in_specs=[pl.BlockSpec((RROWS, 8 * L), lambda i: (i, 0))],
        out_specs=pl.BlockSpec((RROWS, 8), lambda i: (i, 0)),
        out_shape=jax.ShapeDtypeStruct((n, 8), jnp.float32),
    )(p2)
    return out.reshape(B, C)


RB = 32


def _topk_body(lg_ref, cand_ref, out_ref):
    toks = cand_ref[...]
    lg = jnp.where(toks < 2, -jnp.inf, lg_ref[...])
    cidx = lax.broadcasted_iota(jnp.int32, (RB, C), 1)
    kidx = lax.broadcasted_iota(jnp.int32, (RB, KTOP), 1)

    def step(k, carry):
        lgc, out = carry
        m = jnp.max(lgc, axis=1, keepdims=True)
        eq = lgc == m
        idx = jnp.min(jnp.where(eq, cidx, C), axis=1, keepdims=True)
        sel = cidx == idx
        tok = jnp.max(jnp.where(sel, toks, -1), axis=1, keepdims=True)
        out = jnp.where(kidx == k, tok, out)
        lgc = jnp.where(sel, -jnp.inf, lgc)
        return lgc, out

    out0 = jnp.zeros((RB, KTOP), jnp.int32)
    _, out = lax.fori_loop(0, KTOP, step, (lg, out0))
    out_ref[...] = out


def _topk(logits, cand_tok):
    return pl.pallas_call(
        _topk_body,
        grid=(B // RB,),
        in_specs=[
            pl.BlockSpec((RB, C), lambda i: (i, 0)),
            pl.BlockSpec((RB, C), lambda i: (i, 0)),
        ],
        out_specs=pl.BlockSpec((RB, KTOP), lambda i: (i, 0)),
        out_shape=jax.ShapeDtypeStruct((B, KTOP), jnp.int32),
    )(logits, cand_tok)


def kernel(enc_vec, topk, cand_tok, tok_emb, W1, b1, W2):
    w1t = W1.T
    w2t = W2.T
    b1row = b1.reshape(1, HID)
    q = jax.nn.gelu(enc_vec @ W1.T + b1, approximate=False) @ W2.T
    partials = _sc_partials(q, cand_tok, tok_emb)
    logits = _reduce16(partials)
    out = _topk(logits, cand_tok)
    return out + (jnp.asarray(topk, out.dtype) - KTOP)

# --- scband reference (transcript-rebuilt; emitter-appended) ---
"""Pipeline reference for scband-one-step-generator-88012469829725 (READ-ONLY COPY).

The authoritative reference and input builder live on the scoring server;
editing this copy changes nothing except your own understanding.
"""

import jax, jax.numpy as jnp
import numpy as np

B, C = 128, 8192
ENC, HID, TOK, V = 256, 512, 64, 1000000
TOPK = 64


def setup_inputs(seed: int = 0) -> dict:
    key = jax.random.key(seed)
    ks = jax.random.split(key, 6)
    enc_vec = jax.random.normal(ks[0], (B, ENC), dtype=jnp.float32)
    cand_tok = jax.random.randint(ks[1], (B, C), 0, V, dtype=jnp.int32)
    tok_emb = (jax.random.normal(ks[2], (V, TOK), dtype=jnp.float32) * 0.02)
    tok_emb = tok_emb.at[0].set(0.0).at[1].set(0.0)
    W1 = jax.random.normal(ks[3], (HID, ENC), dtype=jnp.float32) * (1.0 / np.sqrt(ENC))
    b1 = jnp.zeros((HID,), dtype=jnp.float32)
    W2 = jax.random.normal(ks[4], (TOK, HID), dtype=jnp.float32) * (1.0 / np.sqrt(HID))
    return {"enc_vec": enc_vec, "topk": TOPK, "cand_tok": cand_tok,
            "tok_emb": tok_emb, "W1": W1, "b1": b1, "W2": W2}


def reference(enc_vec, topk, cand_tok, tok_emb, W1, b1, W2):
    # q_proj (eval mode: dropout is identity): Linear -> GELU(exact) -> Linear(no bias)
    h = jax.nn.gelu(enc_vec @ W1.T + b1, approximate=False)
    q = h @ W2.T  # [B, TOK]
    # embedding gather of candidate tokens (SparseCore gather)
    Wc = jnp.take(tok_emb, cand_tok, axis=0)  # [B, C, TOK]
    logits = jnp.einsum('be,bce->bc', q, Wc)  # [B, C]
    # mask invalid tokens (pad=0, unk=1)
    invalid = cand_tok < 2
    logits2 = jnp.where(invalid, -jnp.inf, logits)
    K = min(TOPK, C)
    _, idx = jax.lax.top_k(logits2, K)  # [B, K]
    out = jnp.take_along_axis(cand_tok, idx, axis=1)  # [B, K]
    out = out + (jnp.asarray(topk, out.dtype) - TOPK)
    if K < TOPK:
        pad = jnp.zeros((B, TOPK - K), dtype=out.dtype)
        out = jnp.concatenate([out, pad], axis=1)
    return out

if __name__ == "__main__":
    import jax
    _d = setup_inputs()
    print(jax.jit(kernel)(*tuple(_d.values())))

</pallas_src>

<mosaic_0001>
#map = affine_map<(d0, d1) -> (0)>
#map1 = affine_map<(d0, d1) -> (0, 0)>
module attributes {stable_mosaic.version = 14 : i64} {
  func.func @_sc_partials_kernel(%arg0: i32, %arg1: i32, %arg2: memref<8192xf32, #tpu.memory_space<hbm>>, %arg3: memref<1048576xi32, #tpu.memory_space<hbm>>, %arg4: memref<1000000x64xf32, #tpu.memory_space<hbm>>, %arg5: memref<16777216xf32, #tpu.memory_space<hbm>>, %arg6: memref<128xf32, #tpu.memory_space<vmem>>, %arg7: memref<8192xi32, #tpu.memory_space<vmem>>, %arg8: memref<128x64xf32, #tpu.memory_space<vmem>>, %arg9: memref<128x64xf32, #tpu.memory_space<vmem>>, %arg10: memref<128x64xf32, #tpu.memory_space<vmem>>, %arg11: memref<128x64xf32, #tpu.memory_space<vmem>>, %arg12: memref<2048xf32, #tpu.memory_space<vmem>>, %arg13: memref<2048xf32, #tpu.memory_space<vmem>>, %arg14: memref<!tpu.dma_semaphore, #tpu.memory_space<semaphore_mem>>, %arg15: memref<!tpu.dma_semaphore, #tpu.memory_space<semaphore_mem>>, %arg16: memref<!tpu.dma_semaphore, #tpu.memory_space<semaphore_mem>>, %arg17: memref<!tpu.dma_semaphore, #tpu.memory_space<semaphore_mem>>, %arg18: memref<!tpu.dma_semaphore, #tpu.memory_space<semaphore_mem>>, %arg19: memref<!tpu.dma_semaphore, #tpu.memory_space<semaphore_mem>>) attributes {dimension_semantics = [#tpu.dimension_semantics<core_parallel>, #tpu.dimension_semantics<subcore_parallel>], iteration_bounds = array<i64: 2, 16>, scalar_prefetch = 0 : i64, scratch_operands = 14 : i64, tpu.core_type = #tpu.core_type<sc_vector_subcore>, window_params = [{transform_indices = #map}, {transform_indices = #map}, {transform_indices = #map1}, {transform_indices = #map}]} {
    %mul3A = arith.constant 2 : i32
    %mul3A_0 = arith.muli %arg1, %mul3A : i32
    %add3A = arith.addi %mul3A_0, %arg0 : i32
    %scan3A = arith.constant 0 : i32
    %scan3A_1 = arith.constant 0 : i32
    %scan3A_2 = arith.constant 4 : i32
    %scan3A_3 = arith.addi %scan3A_1, %scan3A_2 : i32
    %scan3A_4 = arith.constant 1 : i32
    %scan3A_5 = scf.for %scan3A_7 = %scan3A_1 to %scan3A_3 step %scan3A_4 iter_args(%scan3A_8 = %scan3A) -> (i32)  : i32 {
      %mul3A_9 = arith.constant 4 : i32
      %mul3A_10 = arith.muli %add3A, %mul3A_9 : i32
      %add3A_11 = arith.addi %mul3A_10, %scan3A_7 : i32
      %mul3A_12 = arith.constant 64 : i32
      %mul3A_13 = arith.muli %add3A_11, %mul3A_12 : i32
      "tpu.region"() ({
        %run_scoped3A = tpu.sem_alloc : memref<!tpu.dma_semaphore, #tpu.memory_space<semaphore_mem>>
        %dma_start3A_69 = arith.constant 0 : i32
        %dma_start3A_70 = tpu.memref_slice %arg6[%dma_start3A_69] : memref<128xf32, #tpu.memory_space<vmem>> -> memref<64xf32, #tpu.memory_space<vmem>>
        %dma_start3A_71 = tpu.memref_slice %arg2[%mul3A_13] : memref<8192xf32, #tpu.memory_space<hbm>> -> memref<64xf32, #tpu.memory_space<hbm>>
        %dma_start3A_72 = arith.constant 0 : i32
        %dma_start3A_73 = tpu.memref_slice %arg6[%dma_start3A_72] : memref<128xf32, #tpu.memory_space<vmem>> -> memref<64xf32, #tpu.memory_space<vmem>>
        %dma_start3A_74 = tpu.memref_slice %arg2[%mul3A_13] : memref<8192xf32, #tpu.memory_space<hbm>> -> memref<64xf32, #tpu.memory_space<hbm>>
        tpu.enqueue_dma source(%dma_start3A_74 : memref<64xf32, #tpu.memory_space<hbm>>) target(%dma_start3A_73 : memref<64xf32, #tpu.memory_space<vmem>>) target_semaphore(%run_scoped3A : memref<!tpu.dma_semaphore, #tpu.memory_space<semaphore_mem>>)
        %dma_wait3A_75 = arith.constant 0 : i32
        %dma_wait3A_76 = tpu.memref_slice %arg6[%dma_wait3A_75] : memref<128xf32, #tpu.memory_space<vmem>> -> memref<64xf32, #tpu.memory_space<vmem>>
        %dma_wait3A_77 = tpu.memref_slice %arg2[%mul3A_13] : memref<8192xf32, #tpu.memory_space<hbm>> -> memref<64xf32, #tpu.memory_space<hbm>>
        %dma_wait3A_78 = arith.constant 0 : i32
        %dma_wait3A_79 = tpu.memref_slice %arg6[%dma_wait3A_78] : memref<128xf32, #tpu.memory_space<vmem>> -> memref<64xf32, #tpu.memory_space<vmem>>
        %dma_wait3A_80 = tpu.memref_slice %arg2[%mul3A_13] : memref<8192xf32, #tpu.memory_space<hbm>> -> memref<64xf32, #tpu.memory_space<hbm>>
        tpu.wait_dma2 semaphore(%run_scoped3A : memref<!tpu.dma_semaphore, #tpu.memory_space<semaphore_mem>>) src(%dma_wait3A_80 : memref<64xf32, #tpu.memory_space<hbm>>) dst(%dma_wait3A_79 : memref<64xf32, #tpu.memory_space<vmem>>)
        tpu.yield
      }) : () -> ()
      %mul3A_14 = arith.constant 8192 : i32
      %mul3A_15 = arith.muli %add3A_11, %mul3A_14 : i32
      "tpu.region"() ({
        %run_scoped3A = tpu.sem_alloc : memref<!tpu.dma_semaphore, #tpu.memory_space<semaphore_mem>>
        %dma_start3A_69 = tpu.memref_slice %arg3[%mul3A_15] : memref<1048576xi32, #tpu.memory_space<hbm>> -> memref<8192xi32, #tpu.memory_space<hbm>>
        %dma_start3A_70 = tpu.memref_slice %arg3[%mul3A_15] : memref<1048576xi32, #tpu.memory_space<hbm>> -> memref<8192xi32, #tpu.memory_space<hbm>>
        tpu.enqueue_dma source(%dma_start3A_70 : memref<8192xi32, #tpu.memory_space<hbm>>) target(%arg7 : memref<8192xi32, #tpu.memory_space<vmem>>) target_semaphore(%run_scoped3A : memref<!tpu.dma_semaphore, #tpu.memory_space<semaphore_mem>>)
        %dma_wait3A_71 = tpu.memref_slice %arg3[%mul3A_15] : memref<1048576xi32, #tpu.memory_space<hbm>> -> memref<8192xi32, #tpu.memory_space<hbm>>
        %dma_wait3A_72 = tpu.memref_slice %arg3[%mul3A_15] : memref<1048576xi32, #tpu.memory_space<hbm>> -> memref<8192xi32, #tpu.memory_space<hbm>>
        tpu.wait_dma2 semaphore(%run_scoped3A : memref<!tpu.dma_semaphore, #tpu.memory_space<semaphore_mem>>) src(%dma_wait3A_72 : memref<8192xi32, #tpu.memory_space<hbm>>) dst(%arg7 : memref<8192xi32, #tpu.memory_space<vmem>>)
        tpu.yield
      }) : () -> ()
      %get3A = arith.constant 0 : index
      %get3A_16 = tpu.vector_load %arg6[%get3A] {strides = array<i32>} : memref<128xf32, #tpu.memory_space<vmem>>, vector<16xf32>,
      %get3A_17 = vector.shape_cast %get3A_16 : vector<16xf32> to vector<16xf32>
      %get3A_18 = arith.constant 16 : index
      %get3A_19 = tpu.vector_load %arg6[%get3A_18] {strides = array<i32>} : memref<128xf32, #tpu.memory_space<vmem>>, vector<16xf32>,
      %get3A_20 = vector.shape_cast %get3A_19 : vector<16xf32> to vector<16xf32>
      %get3A_21 = arith.constant 32 : index
      %get3A_22 = tpu.vector_load %arg6[%get3A_21] {strides = array<i32>} : memref<128xf32, #tpu.memory_space<vmem>>, vector<16xf32>,
      %get3A_23 = vector.shape_cast %get3A_22 : vector<16xf32> to vector<16xf32>
      %get3A_24 = arith.constant 48 : index
      %get3A_25 = tpu.vector_load %arg6[%get3A_24] {strides = array<i32>} : memref<128xf32, #tpu.memory_space<vmem>>, vector<16xf32>,
      %get3A_26 = vector.shape_cast %get3A_25 : vector<16xf32> to vector<16xf32>
      %dma_start3A = arith.constant 0 : i32
      %dma_start3A_27 = tpu.memref_slice %arg7[%dma_start3A] : memref<8192xi32, #tpu.memory_space<vmem>> -> memref<128xi32, #tpu.memory_space<vmem>>
      %dma_start3A_28 = arith.constant 0 : i32
      %dma_start3A_29 = arith.constant 0 : i32
      %dma_start3A_30 = tpu.memref_slice %arg4[%dma_start3A_28, %dma_start3A_29] : memref<1000000x64xf32, #tpu.memory_space<hbm>> -> memref<1000000x64xf32, #tpu.memory_space<hbm>>
      tpu.enqueue_indirect_dma source(%dma_start3A_30 : memref<1000000x64xf32, #tpu.memory_space<hbm>>) target(%arg8 : memref<128x64xf32, #tpu.memory_space<vmem>>) offsets(%dma_start3A_27 : memref<128xi32, #tpu.memory_space<vmem>>) semaphore(%arg14 : memref<!tpu.dma_semaphore, #tpu.memory_space<semaphore_mem>>)
      %dma_start3A_31 = arith.constant 128 : i32
      %dma_start3A_32 = tpu.memref_slice %arg7[%dma_start3A_31] : memref<8192xi32, #tpu.memory_space<vmem>> -> memref<128xi32, #tpu.memory_space<vmem>>
      %dma_start3A_33 = arith.constant 0 : i32
      %dma_start3A_34 = arith.constant 0 : i32
      %dma_start3A_35 = tpu.memref_slice %arg4[%dma_start3A_33, %dma_start3A_34] : memref<1000000x64xf32, #tpu.memory_space<hbm>> -> memref<1000000x64xf32, #tpu.memory_space<hbm>>
      tpu.enqueue_indirect_dma source(%dma_start3A_35 : memref<1000000x64xf32, #tpu.memory_space<hbm>>) target(%arg9 : memref<128x64xf32, #tpu.memory_space<vmem>>) offsets(%dma_start3A_32 : memref<128xi32, #tpu.memory_space<vmem>>) semaphore(%arg15 : memref<!tpu.dma_semaphore, #tpu.memory_space<semaphore_mem>>)
      %dma_start3A_36 = arith.constant 256 : i32
      %dma_start3A_37 = tpu.memref_slice %arg7[%dma_start3A_36] : memref<8192xi32, #tpu.memory_space<vmem>> -> memref<128xi32, #tpu.memory_space<vmem>>
      %dma_start3A_38 = arith.constant 0 : i32
      %dma_start3A_39 = arith.constant 0 : i32
      %dma_start3A_40 = tpu.memref_slice %arg4[%dma_start3A_38, %dma_start3A_39] : memref<1000000x64xf32, #tpu.memory_space<hbm>> -> memref<1000000x64xf32, #tpu.memory_space<hbm>>
      tpu.enqueue_indirect_dma source(%dma_start3A_40 : memref<1000000x64xf32, #tpu.memory_space<hbm>>) target(%arg10 : memref<128x64xf32, #tpu.memory_space<vmem>>) offsets(%dma_start3A_37 : memref<128xi32, #tpu.memory_space<vmem>>) semaphore(%arg16 : memref<!tpu.dma_semaphore, #tpu.memory_space<semaphore_mem>>)
      %dma_start3A_41 = arith.constant 384 : i32
      %dma_start3A_42 = tpu.memref_slice %arg7[%dma_start3A_41] : memref<8192xi32, #tpu.memory_space<vmem>> -> memref<128xi32, #tpu.memory_space<vmem>>
      %dma_start3A_43 = arith.constant 0 : i32
      %dma_start3A_44 = arith.constant 0 : i32
      %dma_start3A_45 = tpu.memref_slice %arg4[%dma_start3A_43, %dma_start3A_44] : memref<1000000x64xf32, #tpu.memory_space<hbm>> -> memref<1000000x64xf32, #tpu.memory_space<hbm>>
      tpu.enqueue_indirect_dma source(%dma_start3A_45 : memref<1000000x64xf32, #tpu.memory_space<hbm>>) target(%arg11 : memref<128x64xf32, #tpu.memory_space<vmem>>) offsets(%dma_start3A_42 : memref<128xi32, #tpu.memory_space<vmem>>) semaphore(%arg17 : memref<!tpu.dma_semaphore, #tpu.memory_space<semaphore_mem>>)
      %scan3A_46 = arith.constant 0 : i32
      %scan3A_47 = arith.constant 0 : i32
      %scan3A_48 = arith.constant 16 : i32
      %scan3A_49 = arith.addi %scan3A_47, %scan3A_48 : i32
      %scan3A_50 = arith.constant 1 : i32
      %scan3A_51 = scf.for %scan3A_69 = %scan3A_47 to %scan3A_49 step %scan3A_50 iter_args(%scan3A_70 = %scan3A_46) -> (i32)  : i32 {
        %mul3A_71 = arith.constant 4 : i32
        %mul3A_72 = arith.muli %scan3A_69, %mul3A_71 : i32
        %add3A_73 = arith.constant 0 : i32
        %add3A_74 = arith.addi %mul3A_72, %add3A_73 : i32
        %mul3A_75 = arith.constant 128 : i32
        %mul3A_76 = arith.muli %add3A_74, %mul3A_75 : i32
        %dma_wait3A_77 = tpu.memref_slice %arg7[%mul3A_76] : memref<8192xi32, #tpu.memory_space<vmem>> -> memref<128xi32, #tpu.memory_space<vmem>>
        %dma_wait3A_78 = arith.constant 0 : i32
        %dma_wait3A_79 = arith.constant 0 : i32
        %dma_wait3A_80 = tpu.memref_slice %arg4[%dma_wait3A_78, %dma_wait3A_79] : memref<1000000x64xf32, #tpu.memory_space<hbm>> -> memref<1000000x64xf32, #tpu.memory_space<hbm>>
        tpu.wait_indirect_dma semaphore(%arg14 : memref<!tpu.dma_semaphore, #tpu.memory_space<semaphore_mem>>) src(%dma_wait3A_80 : memref<1000000x64xf32, #tpu.memory_space<hbm>>) dst(%arg8 : memref<128x64xf32, #tpu.memory_space<vmem>>)
        %ge3A = arith.constant 2 : i32
        %ge3A_81 = arith.cmpi sge, %add3A_74, %ge3A : i32
        %convert_element_type3A = arith.extui %ge3A_81 : i1 to i32
        %cond3A = arith.constant 0 : i32
        %cond3A_82 = arith.cmpi ne, %convert_element_type3A, %cond3A : i32
        scf.if %cond3A_82 {
          %mul3A_214 = arith.constant 8192 : i32
          %mul3A_215 = arith.muli %add3A_11, %mul3A_214 : i32
          %mul3A_216 = arith.constant 128 : i32
          %mul3A_217 = arith.muli %add3A_74, %mul3A_216 : i32
          %add3A_218 = arith.addi %mul3A_215, %mul3A_217 : i32
          %mul3A_219 = arith.constant 16 : i32
          %mul3A_220 = arith.muli %add3A_218, %mul3A_219 : i32
          %dma_wait3A_221 = tpu.memref_slice %arg5[%mul3A_220] : memref<16777216xf32, #tpu.memory_space<hbm>> -> memref<2048xf32, #tpu.memory_space<hbm>>
          %dma_wait3A_222 = tpu.memref_slice %arg5[%mul3A_220] : memref<16777216xf32, #tpu.memory_space<hbm>> -> memref<2048xf32, #tpu.memory_space<hbm>>
          tpu.wait_dma2 semaphore(%arg18 : memref<!tpu.dma_semaphore, #tpu.memory_space<semaphore_mem>>) src(%arg12 : memref<2048xf32, #tpu.memory_space<vmem>>) dst(%dma_wait3A_222 : memref<2048xf32, #tpu.memory_space<hbm>>)
        } else {
        }
        %scan3A_83 = arith.constant 0 : i32
        %scan3A_84 = arith.constant 0 : i32
        %scan3A_85 = arith.constant 32 : i32
        %scan3A_86 = arith.addi %scan3A_84, %scan3A_85 : i32
        %scan3A_87 = arith.constant 1 : i32
        %scan3A_88 = scf.for %scan3A_214 = %scan3A_84 to %scan3A_86 step %scan3A_87 iter_args(%scan3A_215 = %scan3A_83) -> (i32)  : i32 {
          %mul3A_216 = arith.constant 4 : i32
          %mul3A_217 = arith.muli %scan3A_214, %mul3A_216 : i32
          %add3A_218 = arith.constant 0 : i32
          %add3A_219 = arith.addi %mul3A_217, %add3A_218 : i32
          %get3A_220 = arith.index_cast %add3A_219 : i32 to index
          %get3A_221 = arith.constant 0 : index
          %get3A_222 = tpu.vector_load %arg8[%get3A_220, %get3A_221] {strides = array<i32>} : memref<128x64xf32, #tpu.memory_space<vmem>>, vector<1x16xf32>,
          %get3A_223 = vector.shape_cast %get3A_222 : vector<1x16xf32> to vector<16xf32>
          %mul3A_224 = arith.mulf %get3A_223, %get3A_17 : vector<16xf32>
          %get3A_225 = arith.index_cast %add3A_219 : i32 to index
          %get3A_226 = arith.constant 16 : index
          %get3A_227 = tpu.vector_load %arg8[%get3A_225, %get3A_226] {strides = array<i32>} : memref<128x64xf32, #tpu.memory_space<vmem>>, vector<1x16xf32>,
          %get3A_228 = vector.shape_cast %get3A_227 : vector<1x16xf32> to vector<16xf32>
          %mul3A_229 = arith.mulf %get3A_228, %get3A_20 : vector<16xf32>
          %get3A_230 = arith.index_cast %add3A_219 : i32 to index
          %get3A_231 = arith.constant 32 : index
          %get3A_232 = tpu.vector_load %arg8[%get3A_230, %get3A_231] {strides = array<i32>} : memref<128x64xf32, #tpu.memory_space<vmem>>, vector<1x16xf32>,
          %get3A_233 = vector.shape_cast %get3A_232 : vector<1x16xf32> to vector<16xf32>
          %mul3A_234 = arith.mulf %get3A_233, %get3A_23 : vector<16xf32>
          %get3A_235 = arith.index_cast %add3A_219 : i32 to index
          %get3A_236 = arith.constant 48 : index
          %get3A_237 = tpu.vector_load %arg8[%get3A_235, %get3A_236] {strides = array<i32>} : memref<128x64xf32, #tpu.memory_space<vmem>>, vector<1x16xf32>,
          %get3A_238 = vector.shape_cast %get3A_237 : vector<1x16xf32> to vector<16xf32>
          %mul3A_239 = arith.mulf %get3A_238, %get3A_26 : vector<16xf32>
          %add3A_240 = arith.addf %mul3A_224, %mul3A_234 : vector<16xf32>
          %add3A_241 = arith.addf %mul3A_229, %mul3A_239 : vector<16xf32>
          %add3A_242 = arith.addf %add3A_240, %add3A_241 : vector<16xf32>
          %mul3A_243 = arith.constant 16 : i32
          %mul3A_244 = arith.muli %add3A_219, %mul3A_243 : i32
          %swap3A = arith.index_cast %mul3A_244 : i32 to index
          %swap3A_245 = tpu.vector_load %arg12[%swap3A] {strides = array<i32>} : memref<2048xf32, #tpu.memory_space<vmem>>, vector<16xf32>,
          %swap3A_246 = vector.shape_cast %swap3A_245 : vector<16xf32> to vector<16xf32>
          %swap3A_247 = vector.shape_cast %add3A_242 : vector<16xf32> to vector<16xf32>
          tpu.vector_store %arg12[%swap3A], %swap3A_247 {strides = array<i32>} : memref<2048xf32, #tpu.memory_space<vmem>>, vector<16xf32>,
          %mul3A_248 = arith.constant 4 : i32
          %mul3A_249 = arith.muli %scan3A_214, %mul3A_248 : i32
          %add3A_250 = arith.constant 1 : i32
          %add3A_251 = arith.addi %mul3A_249, %add3A_250 : i32
          %get3A_252 = arith.index_cast %add3A_251 : i32 to index
          %get3A_253 = arith.constant 0 : index
          %get3A_254 = tpu.vector_load %arg8[%get3A_252, %get3A_253] {strides = array<i32>} : memref<128x64xf32, #tpu.memory_space<vmem>>, vector<1x16xf32>,
          %get3A_255 = vector.shape_cast %get3A_254 : vector<1x16xf32> to vector<16xf32>
          %mul3A_256 = arith.mulf %get3A_255, %get3A_17 : vector<16xf32>
          %get3A_257 = arith.index_cast %add3A_251 : i32 to index
          %get3A_258 = arith.constant 16 : index
          %get3A_259 = tpu.vector_load %arg8[%get3A_257, %get3A_258] {strides = array<i32>} : memref<128x64xf32, #tpu.memory_space<vmem>>, vector<1x16xf32>,
          %get3A_260 = vector.shape_cast %get3A_259 : vector<1x16xf32> to vector<16xf32>
          %mul3A_261 = arith.mulf %get3A_260, %get3A_20 : vector<16xf32>
          %get3A_262 = arith.index_cast %add3A_251 : i32 to index
          %get3A_263 = arith.constant 32 : index
          %get3A_264 = tpu.vector_load %arg8[%get3A_262, %get3A_263] {strides = array<i32>} : memref<128x64xf32, #tpu.memory_space<vmem>>, vector<1x16xf32>,
          %get3A_265 = vector.shape_cast %get3A_264 : vector<1x16xf32> to vector<16xf32>
          %mul3A_266 = arith.mulf %get3A_265, %get3A_23 : vector<16xf32>
          %get3A_267 = arith.index_cast %add3A_251 : i32 to index
          %get3A_268 = arith.constant 48 : index
          %get3A_269 = tpu.vector_load %arg8[%get3A_267, %get3A_268] {strides = array<i32>} : memref<128x64xf32, #tpu.memory_space<vmem>>, vector<1x16xf32>,
          %get3A_270 = vector.shape_cast %get3A_269 : vector<1x16xf32> to vector<16xf32>
          %mul3A_271 = arith.mulf %get3A_270, %get3A_26 : vector<16xf32>
          %add3A_272 = arith.addf %mul3A_256, %mul3A_266 : vector<16xf32>
          %add3A_273 = arith.addf %mul3A_261, %mul3A_271 : vector<16xf32>
          %add3A_274 = arith.addf %add3A_272, %add3A_273 : vector<16xf32>
          %mul3A_275 = arith.constant 16 : i32
          %mul3A_276 = arith.muli %add3A_251, %mul3A_275 : i32
          %swap3A_277 = arith.index_cast %mul3A_276 : i32 to index
          %swap3A_278 = tpu.vector_load %arg12[%swap3A_277] {strides = array<i32>} : memref<2048xf32, #tpu.memory_space<vmem>>, vector<16xf32>,
          %swap3A_279 = vector.shape_cast %swap3A_278 : vector<16xf32> to vector<16xf32>
          %swap3A_280 = vector.shape_cast %add3A_274 : vector<16xf32> to vector<16xf32>
          tpu.vector_store %arg12[%swap3A_277], %swap3A_280 {strides = array<i32>} : memref<2048xf32, #tpu.memory_space<vmem>>, vector<16xf32>,
          %mul3A_281 = arith.constant 4 : i32
          %mul3A_282 = arith.muli %scan3A_214, %mul3A_281 : i32
          %add3A_283 = arith.constant 2 : i32
          %add3A_284 = arith.addi %mul3A_282, %add3A_283 : i32
          %get3A_285 = arith.index_cast %add3A_284 : i32 to index
          %get3A_286 = arith.constant 0 : index
          %get3A_287 = tpu.vector_load %arg8[%get3A_285, %get3A_286] {strides = array<i32>} : memref<128x64xf32, #tpu.memory_space<vmem>>, vector<1x16xf32>,
          %get3A_288 = vector.shape_cast %get3A_287 : vector<1x16xf32> to vector<16xf32>
          %mul3A_289 = arith.mulf %get3A_288, %get3A_17 : vector<16xf32>
          %get3A_290 = arith.index_cast %add3A_284 : i32 to index
          %get3A_291 = arith.constant 16 : index
          %get3A_292 = tpu.vector_load %arg8[%get3A_290, %get3A_291] {strides = array<i32>} : memref<128x64xf32, #tpu.memory_space<vmem>>, vector<1x16xf32>,
          %get3A_293 = vector.shape_cast %get3A_292 : vector<1x16xf32> to vector<16xf32>
          %mul3A_294 = arith.mulf %get3A_293, %get3A_20 : vector<16xf32>
          %get3A_295 = arith.index_cast %add3A_284 : i32 to index
          %get3A_296 = arith.constant 32 : index
          %get3A_297 = tpu.vector_load %arg8[%get3A_295, %get3A_296] {strides = array<i32>} : memref<128x64xf32, #tpu.memory_space<vmem>>, vector<1x16xf32>,
          %get3A_298 = vector.shape_cast %get3A_297 : vector<1x16xf32> to vector<16xf32>
          %mul3A_299 = arith.mulf %get3A_298, %get3A_23 : vector<16xf32>
          %get3A_300 = arith.index_cast %add3A_284 : i32 to index
          %get3A_301 = arith.constant 48 : index
          %get3A_302 = tpu.vector_load %arg8[%get3A_300, %get3A_301] {strides = array<i32>} : memref<128x64xf32, #tpu.memory_space<vmem>>, vector<1x16xf32>,
          %get3A_303 = vector.shape_cast %get3A_302 : vector<1x16xf32> to vector<16xf32>
          %mul3A_304 = arith.mulf %get3A_303, %get3A_26 : vector<16xf32>
          %add3A_305 = arith.addf %mul3A_289, %mul3A_299 : vector<16xf32>
          %add3A_306 = arith.addf %mul3A_294, %mul3A_304 : vector<16xf32>
          %add3A_307 = arith.addf %add3A_305, %add3A_306 : vector<16xf32>
          %mul3A_308 = arith.constant 16 : i32
          %mul3A_309 = arith.muli %add3A_284, %mul3A_308 : i32
          %swap3A_310 = arith.index_cast %mul3A_309 : i32 to index
          %swap3A_311 = tpu.vector_load %arg12[%swap3A_310] {strides = array<i32>} : memref<2048xf32, #tpu.memory_space<vmem>>, vector<16xf32>,
          %swap3A_312 = vector.shape_cast %swap3A_311 : vector<16xf32> to vector<16xf32>
          %swap3A_313 = vector.shape_cast %add3A_307 : vector<16xf32> to vector<16xf32>
          tpu.vector_store %arg12[%swap3A_310], %swap3A_313 {strides = array<i32>} : memref<2048xf32, #tpu.memory_space<vmem>>, vector<16xf32>,
          %mul3A_314 = arith.constant 4 : i32
          %mul3A_315 = arith.muli %scan3A_214, %mul3A_314 : i32
          %add3A_316 = arith.constant 3 : i32
          %add3A_317 = arith.addi %mul3A_315, %add3A_316 : i32
          %get3A_318 = arith.index_cast %add3A_317 : i32 to index
          %get3A_319 = arith.constant 0 : index
          %get3A_320 = tpu.vector_load %arg8[%get3A_318, %get3A_319] {strides = array<i32>} : memref<128x64xf32, #tpu.memory_space<vmem>>, vector<1x16xf32>,
          %get3A_321 = vector.shape_cast %get3A_320 : vector<1x16xf32> to vector<16xf32>
          %mul3A_322 = arith.mulf %get3A_321, %get3A_17 : vector<16xf32>
          %get3A_323 = arith.index_cast %add3A_317 : i32 to index
          %get3A_324 = arith.constant 16 : index
          %get3A_325 = tpu.vector_load %arg8[%get3A_323, %get3A_324] {strides = array<i32>} : memref<128x64xf32, #tpu.memory_space<vmem>>, vector<1x16xf32>,
          %get3A_326 = vector.shape_cast %get3A_325 : vector<1x16xf32> to vector<16xf32>
          %mul3A_327 = arith.mulf %get3A_326, %get3A_20 : vector<16xf32>
          %get3A_328 = arith.index_cast %add3A_317 : i32 to index
          %get3A_329 = arith.constant 32 : index
          %get3A_330 = tpu.vector_load %arg8[%get3A_328, %get3A_329] {strides = array<i32>} : memref<128x64xf32, #tpu.memory_space<vmem>>, vector<1x16xf32>,
          %get3A_331 = vector.shape_cast %get3A_330 : vector<1x16xf32> to vector<16xf32>
          %mul3A_332 = arith.mulf %get3A_331, %get3A_23 : vector<16xf32>
          %get3A_333 = arith.index_cast %add3A_317 : i32 to index
          %get3A_334 = arith.constant 48 : index
          %get3A_335 = tpu.vector_load %arg8[%get3A_333, %get3A_334] {strides = array<i32>} : memref<128x64xf32, #tpu.memory_space<vmem>>, vector<1x16xf32>,
          %get3A_336 = vector.shape_cast %get3A_335 : vector<1x16xf32> to vector<16xf32>
          %mul3A_337 = arith.mulf %get3A_336, %get3A_26 : vector<16xf32>
          %add3A_338 = arith.addf %mul3A_322, %mul3A_332 : vector<16xf32>
          %add3A_339 = arith.addf %mul3A_327, %mul3A_337 : vector<16xf32>
          %add3A_340 = arith.addf %add3A_338, %add3A_339 : vector<16xf32>
          %mul3A_341 = arith.constant 16 : i32
          %mul3A_342 = arith.muli %add3A_317, %mul3A_341 : i32
          %swap3A_343 = arith.index_cast %mul3A_342 : i32 to index
          %swap3A_344 = tpu.vector_load %arg12[%swap3A_343] {strides = array<i32>} : memref<2048xf32, #tpu.memory_space<vmem>>, vector<16xf32>,
          %swap3A_345 = vector.shape_cast %swap3A_344 : vector<16xf32> to vector<16xf32>
          %swap3A_346 = vector.shape_cast %add3A_340 : vector<16xf32> to vector<16xf32>
          tpu.vector_store %arg12[%swap3A_343], %swap3A_346 {strides = array<i32>} : memref<2048xf32, #tpu.memory_space<vmem>>, vector<16xf32>,
          %scan3A_347 = arith.constant 0 : i32
          scf.yield %scan3A_347 : i32
        }
        %scan3A_89 = arith.constant 32 : i32
        %add3A_90 = arith.constant 4 : i32
        %add3A_91 = arith.addi %add3A_74, %add3A_90 : i32
        %lt3A = arith.constant 64 : i32
        %lt3A_92 = arith.cmpi slt, %add3A_91, %lt3A : i32
        %convert_element_type3A_93 = arith.extui %lt3A_92 : i1 to i32
        %cond3A_94 = arith.constant 0 : i32
        %cond3A_95 = arith.cmpi ne, %convert_element_type3A_93, %cond3A_94 : i32
        scf.if %cond3A_95 {
          %add3A_214 = arith.constant 4 : i32
          %add3A_215 = arith.addi %add3A_74, %add3A_214 : i32
          %mul3A_216 = arith.constant 128 : i32
          %mul3A_217 = arith.muli %add3A_215, %mul3A_216 : i32
          %dma_start3A_218 = tpu.memref_slice %arg7[%mul3A_217] : memref<8192xi32, #tpu.memory_space<vmem>> -> memref<128xi32, #tpu.memory_space<vmem>>
          %dma_start3A_219 = arith.constant 0 : i32
          %dma_start3A_220 = arith.constant 0 : i32
          %dma_start3A_221 = tpu.memref_slice %arg4[%dma_start3A_219, %dma_start3A_220] : memref<1000000x64xf32, #tpu.memory_space<hbm>> -> memref<1000000x64xf32, #tpu.memory_space<hbm>>
          tpu.enqueue_indirect_dma source(%dma_start3A_221 : memref<1000000x64xf32, #tpu.memory_space<hbm>>) target(%arg8 : memref<128x64xf32, #tpu.memory_space<vmem>>) offsets(%dma_start3A_218 : memref<128xi32, #tpu.memory_space<vmem>>) semaphore(%arg14 : memref<!tpu.dma_semaphore, #tpu.memory_space<semaphore_mem>>)
        } else {
        }
        %mul3A_96 = arith.constant 8192 : i32
        %mul3A_97 = arith.muli %add3A_11, %mul3A_96 : i32
        %mul3A_98 = arith.constant 128 : i32
        %mul3A_99 = arith.muli %add3A_74, %mul3A_98 : i32
        %add3A_100 = arith.addi %mul3A_97, %mul3A_99 : i32
        %mul3A_101 = arith.constant 16 : i32
        %mul3A_102 = arith.muli %add3A_100, %mul3A_101 : i32
        %dma_start3A_103 = tpu.memref_slice %arg5[%mul3A_102] : memref<16777216xf32, #tpu.memory_space<hbm>> -> memref<2048xf32, #tpu.memory_space<hbm>>
        %dma_start3A_104 = tpu.memref_slice %arg5[%mul3A_102] : memref<16777216xf32, #tpu.memory_space<hbm>> -> memref<2048xf32, #tpu.memory_space<hbm>>
        tpu.enqueue_dma source(%arg12 : memref<2048xf32, #tpu.memory_space<vmem>>) target(%dma_start3A_104 : memref<2048xf32, #tpu.memory_space<hbm>>) target_semaphore(%arg18 : memref<!tpu.dma_semaphore, #tpu.memory_space<semaphore_mem>>)
        %add3A_105 = arith.constant 1 : i32
        %add3A_106 = arith.addi %mul3A_72, %add3A_105 : i32
        %mul3A_107 = arith.constant 128 : i32
        %mul3A_108 = arith.muli %add3A_106, %mul3A_107 : i32
        %dma_wait3A_109 = tpu.memref_slice %arg7[%mul3A_108] : memref<8192xi32, #tpu.memory_space<vmem>> -> memref<128xi32, #tpu.memory_space<vmem>>
        %dma_wait3A_110 = arith.constant 0 : i32
        %dma_wait3A_111 = arith.constant 0 : i32
        %dma_wait3A_112 = tpu.memref_slice %arg4[%dma_wait3A_110, %dma_wait3A_111] : memref<1000000x64xf32, #tpu.memory_space<hbm>> -> memref<1000000x64xf32, #tpu.memory_space<hbm>>
        tpu.wait_indirect_dma semaphore(%arg15 : memref<!tpu.dma_semaphore, #tpu.memory_space<semaphore_mem>>) src(%dma_wait3A_112 : memref<1000000x64xf32, #tpu.memory_space<hbm>>) dst(%arg9 : memref<128x64xf32, #tpu.memory_space<vmem>>)
        %ge3A_113 = arith.constant 2 : i32
        %ge3A_114 = arith.cmpi sge, %add3A_106, %ge3A_113 : i32
        %convert_element_type3A_115 = arith.extui %ge3A_114 : i1 to i32
        %cond3A_116 = arith.constant 0 : i32
        %cond3A_117 = arith.cmpi ne, %convert_element_type3A_115, %cond3A_116 : i32
        scf.if %cond3A_117 {
          %mul3A_214 = arith.constant 8192 : i32
          %mul3A_215 = arith.muli %add3A_11, %mul3A_214 : i32
          %mul3A_216 = arith.constant 128 : i32
          %mul3A_217 = arith.muli %add3A_106, %mul3A_216 : i32
          %add3A_218 = arith.addi %mul3A_215, %mul3A_217 : i32
          %mul3A_219 = arith.constant 16 : i32
          %mul3A_220 = arith.muli %add3A_218, %mul3A_219 : i32
          %dma_wait3A_221 = tpu.memref_slice %arg5[%mul3A_220] : memref<16777216xf32, #tpu.memory_space<hbm>> -> memref<2048xf32, #tpu.memory_space<hbm>>
          %dma_wait3A_222 = tpu.memref_slice %arg5[%mul3A_220] : memref<16777216xf32, #tpu.memory_space<hbm>> -> memref<2048xf32, #tpu.memory_space<hbm>>
          tpu.wait_dma2 semaphore(%arg19 : memref<!tpu.dma_semaphore, #tpu.memory_space<semaphore_mem>>) src(%arg13 : memref<2048xf32, #tpu.memory_space<vmem>>) dst(%dma_wait3A_222 : memref<2048xf32, #tpu.memory_space<hbm>>)
        } else {
        }
        %scan3A_118 = arith.constant 0 : i32
        %scan3A_119 = arith.constant 0 : i32
        %scan3A_120 = arith.constant 32 : i32
        %scan3A_121 = arith.addi %scan3A_119, %scan3A_120 : i32
        %scan3A_122 = arith.constant 1 : i32
        %scan3A_123 = scf.for %scan3A_214 = %scan3A_119 to %scan3A_121 step %scan3A_122 iter_args(%scan3A_215 = %scan3A_118) -> (i32)  : i32 {
          %mul3A_216 = arith.constant 4 : i32
          %mul3A_217 = arith.muli %scan3A_214, %mul3A_216 : i32
          %add3A_218 = arith.constant 0 : i32
          %add3A_219 = arith.addi %mul3A_217, %add3A_218 : i32
          %get3A_220 = arith.index_cast %add3A_219 : i32 to index
          %get3A_221 = arith.constant 0 : index
          %get3A_222 = tpu.vector_load %arg9[%get3A_220, %get3A_221] {strides = array<i32>} : memref<128x64xf32, #tpu.memory_space<vmem>>, vector<1x16xf32>,
          %get3A_223 = vector.shape_cast %get3A_222 : vector<1x16xf32> to vector<16xf32>
          %mul3A_224 = arith.mulf %get3A_223, %get3A_17 : vector<16xf32>
          %get3A_225 = arith.index_cast %add3A_219 : i32 to index
          %get3A_226 = arith.constant 16 : index
          %get3A_227 = tpu.vector_load %arg9[%get3A_225, %get3A_226] {strides = array<i32>} : memref<128x64xf32, #tpu.memory_space<vmem>>, vector<1x16xf32>,
          %get3A_228 = vector.shape_cast %get3A_227 : vector<1x16xf32> to vector<16xf32>
          %mul3A_229 = arith.mulf %get3A_228, %get3A_20 : vector<16xf32>
          %get3A_230 = arith.index_cast %add3A_219 : i32 to index
          %get3A_231 = arith.constant 32 : index
          %get3A_232 = tpu.vector_load %arg9[%get3A_230, %get3A_231] {strides = array<i32>} : memref<128x64xf32, #tpu.memory_space<vmem>>, vector<1x16xf32>,
          %get3A_233 = vector.shape_cast %get3A_232 : vector<1x16xf32> to vector<16xf32>
          %mul3A_234 = arith.mulf %get3A_233, %get3A_23 : vector<16xf32>
          %get3A_235 = arith.index_cast %add3A_219 : i32 to index
          %get3A_236 = arith.constant 48 : index
          %get3A_237 = tpu.vector_load %arg9[%get3A_235, %get3A_236] {strides = array<i32>} : memref<128x64xf32, #tpu.memory_space<vmem>>, vector<1x16xf32>,
          %get3A_238 = vector.shape_cast %get3A_237 : vector<1x16xf32> to vector<16xf32>
          %mul3A_239 = arith.mulf %get3A_238, %get3A_26 : vector<16xf32>
          %add3A_240 = arith.addf %mul3A_224, %mul3A_234 : vector<16xf32>
          %add3A_241 = arith.addf %mul3A_229, %mul3A_239 : vector<16xf32>
          %add3A_242 = arith.addf %add3A_240, %add3A_241 : vector<16xf32>
          %mul3A_243 = arith.constant 16 : i32
          %mul3A_244 = arith.muli %add3A_219, %mul3A_243 : i32
          %swap3A = arith.index_cast %mul3A_244 : i32 to index
          %swap3A_245 = tpu.vector_load %arg13[%swap3A] {strides = array<i32>} : memref<2048xf32, #tpu.memory_space<vmem>>, vector<16xf32>,
          %swap3A_246 = vector.shape_cast %swap3A_245 : vector<16xf32> to vector<16xf32>
          %swap3A_247 = vector.shape_cast %add3A_242 : vector<16xf32> to vector<16xf32>
          tpu.vector_store %arg13[%swap3A], %swap3A_247 {strides = array<i32>} : memref<2048xf32, #tpu.memory_space<vmem>>, vector<16xf32>,
          %mul3A_248 = arith.constant 4 : i32
          %mul3A_249 = arith.muli %scan3A_214, %mul3A_248 : i32
          %add3A_250 = arith.constant 1 : i32
          %add3A_251 = arith.addi %mul3A_249, %add3A_250 : i32
          %get3A_252 = arith.index_cast %add3A_251 : i32 to index
          %get3A_253 = arith.constant 0 : index
          %get3A_254 = tpu.vector_load %arg9[%get3A_252, %get3A_253] {strides = array<i32>} : memref<128x64xf32, #tpu.memory_space<vmem>>, vector<1x16xf32>,
          %get3A_255 = vector.shape_cast %get3A_254 : vector<1x16xf32> to vector<16xf32>
          %mul3A_256 = arith.mulf %get3A_255, %get3A_17 : vector<16xf32>
          %get3A_257 = arith.index_cast %add3A_251 : i32 to index
          %get3A_258 = arith.constant 16 : index
          %get3A_259 = tpu.vector_load %arg9[%get3A_257, %get3A_258] {strides = array<i32>} : memref<128x64xf32, #tpu.memory_space<vmem>>, vector<1x16xf32>,
          %get3A_260 = vector.shape_cast %get3A_259 : vector<1x16xf32> to vector<16xf32>
          %mul3A_261 = arith.mulf %get3A_260, %get3A_20 : vector<16xf32>
          %get3A_262 = arith.index_cast %add3A_251 : i32 to index
          %get3A_263 = arith.constant 32 : index
          %get3A_264 = tpu.vector_load %arg9[%get3A_262, %get3A_263] {strides = array<i32>} : memref<128x64xf32, #tpu.memory_space<vmem>>, vector<1x16xf32>,
          %get3A_265 = vector.shape_cast %get3A_264 : vector<1x16xf32> to vector<16xf32>
          %mul3A_266 = arith.mulf %get3A_265, %get3A_23 : vector<16xf32>
          %get3A_267 = arith.index_cast %add3A_251 : i32 to index
          %get3A_268 = arith.constant 48 : index
          %get3A_269 = tpu.vector_load %arg9[%get3A_267, %get3A_268] {strides = array<i32>} : memref<128x64xf32, #tpu.memory_space<vmem>>, vector<1x16xf32>,
          %get3A_270 = vector.shape_cast %get3A_269 : vector<1x16xf32> to vector<16xf32>
          %mul3A_271 = arith.mulf %get3A_270, %get3A_26 : vector<16xf32>
          %add3A_272 = arith.addf %mul3A_256, %mul3A_266 : vector<16xf32>
          %add3A_273 = arith.addf %mul3A_261, %mul3A_271 : vector<16xf32>
          %add3A_274 = arith.addf %add3A_272, %add3A_273 : vector<16xf32>
          %mul3A_275 = arith.constant 16 : i32
          %mul3A_276 = arith.muli %add3A_251, %mul3A_275 : i32
          %swap3A_277 = arith.index_cast %mul3A_276 : i32 to index
          %swap3A_278 = tpu.vector_load %arg13[%swap3A_277] {strides = array<i32>} : memref<2048xf32, #tpu.memory_space<vmem>>, vector<16xf32>,
          %swap3A_279 = vector.shape_cast %swap3A_278 : vector<16xf32> to vector<16xf32>
          %swap3A_280 = vector.shape_cast %add3A_274 : vector<16xf32> to vector<16xf32>
          tpu.vector_store %arg13[%swap3A_277], %swap3A_280 {strides = array<i32>} : memref<2048xf32, #tpu.memory_space<vmem>>, vector<16xf32>,
          %mul3A_281 = arith.constant 4 : i32
          %mul3A_282 = arith.muli %scan3A_214, %mul3A_281 : i32
          %add3A_283 = arith.constant 2 : i32
          %add3A_284 = arith.addi %mul3A_282, %add3A_283 : i32
          %get3A_285 = arith.index_cast %add3A_284 : i32 to index
          %get3A_286 = arith.constant 0 : index
          %get3A_287 = tpu.vector_load %arg9[%get3A_285, %get3A_286] {strides = array<i32>} : memref<128x64xf32, #tpu.memory_space<vmem>>, vector<1x16xf32>,
          %get3A_288 = vector.shape_cast %get3A_287 : vector<1x16xf32> to vector<16xf32>
          %mul3A_289 = arith.mulf %get3A_288, %get3A_17 : vector<16xf32>
          %get3A_290 = arith.index_cast %add3A_284 : i32 to index
          %get3A_291 = arith.constant 16 : index
          %get3A_292 = tpu.vector_load %arg9[%get3A_290, %get3A_291] {strides = array<i32>} : memref<128x64xf32, #tpu.memory_space<vmem>>, vector<1x16xf32>,
          %get3A_293 = vector.shape_cast %get3A_292 : vector<1x16xf32> to vector<16xf32>
          %mul3A_294 = arith.mulf %get3A_293, %get3A_20 : vector<16xf32>
          %get3A_295 = arith.index_cast %add3A_284 : i32 to index
          %get3A_296 = arith.constant 32 : index
          %get3A_297 = tpu.vector_load %arg9[%get3A_295, %get3A_296] {strides = array<i32>} : memref<128x64xf32, #tpu.memory_space<vmem>>, vector<1x16xf32>,
          %get3A_298 = vector.shape_cast %get3A_297 : vector<1x16xf32> to vector<16xf32>
          %mul3A_299 = arith.mulf %get3A_298, %get3A_23 : vector<16xf32>
          %get3A_300 = arith.index_cast %add3A_284 : i32 to index
          %get3A_301 = arith.constant 48 : index
          %get3A_302 = tpu.vector_load %arg9[%get3A_300, %get3A_301] {strides = array<i32>} : memref<128x64xf32, #tpu.memory_space<vmem>>, vector<1x16xf32>,
          %get3A_303 = vector.shape_cast %get3A_302 : vector<1x16xf32> to vector<16xf32>
          %mul3A_304 = arith.mulf %get3A_303, %get3A_26 : vector<16xf32>
          %add3A_305 = arith.addf %mul3A_289, %mul3A_299 : vector<16xf32>
          %add3A_306 = arith.addf %mul3A_294, %mul3A_304 : vector<16xf32>
          %add3A_307 = arith.addf %add3A_305, %add3A_306 : vector<16xf32>
          %mul3A_308 = arith.constant 16 : i32
          %mul3A_309 = arith.muli %add3A_284, %mul3A_308 : i32
          %swap3A_310 = arith.index_cast %mul3A_309 : i32 to index
          %swap3A_311 = tpu.vector_load %arg13[%swap3A_310] {strides = array<i32>} : memref<2048xf32, #tpu.memory_space<vmem>>, vector<16xf32>,
          %swap3A_312 = vector.shape_cast %swap3A_311 : vector<16xf32> to vector<16xf32>
          %swap3A_313 = vector.shape_cast %add3A_307 : vector<16xf32> to vector<16xf32>
          tpu.vector_store %arg13[%swap3A_310], %swap3A_313 {strides = array<i32>} : memref<2048xf32, #tpu.memory_space<vmem>>, vector<16xf32>,
          %mul3A_314 = arith.constant 4 : i32
          %mul3A_315 = arith.muli %scan3A_214, %mul3A_314 : i32
          %add3A_316 = arith.constant 3 : i32
          %add3A_317 = arith.addi %mul3A_315, %add3A_316 : i32
          %get3A_318 = arith.index_cast %add3A_317 : i32 to index
          %get3A_319 = arith.constant 0 : index
          %get3A_320 = tpu.vector_load %arg9[%get3A_318, %get3A_319] {strides = array<i32>} : memref<128x64xf32, #tpu.memory_space<vmem>>, vector<1x16xf32>,
          %get3A_321 = vector.shape_cast %get3A_320 : vector<1x16xf32> to vector<16xf32>
          %mul3A_322 = arith.mulf %get3A_321, %get3A_17 : vector<16xf32>
          %get3A_323 = arith.index_cast %add3A_317 : i32 to index
          %get3A_324 = arith.constant 16 : index
          %get3A_325 = tpu.vector_load %arg9[%get3A_323, %get3A_324] {strides = array<i32>} : memref<128x64xf32, #tpu.memory_space<vmem>>, vector<1x16xf32>,
          %get3A_326 = vector.shape_cast %get3A_325 : vector<1x16xf32> to vector<16xf32>
          %mul3A_327 = arith.mulf %get3A_326, %get3A_20 : vector<16xf32>
          %get3A_328 = arith.index_cast %add3A_317 : i32 to index
          %get3A_329 = arith.constant 32 : index
          %get3A_330 = tpu.vector_load %arg9[%get3A_328, %get3A_329] {strides = array<i32>} : memref<128x64xf32, #tpu.memory_space<vmem>>, vector<1x16xf32>,
          %get3A_331 = vector.shape_cast %get3A_330 : vector<1x16xf32> to vector<16xf32>
          %mul3A_332 = arith.mulf %get3A_331, %get3A_23 : vector<16xf32>
          %get3A_333 = arith.index_cast %add3A_317 : i32 to index
          %get3A_334 = arith.constant 48 : index
          %get3A_335 = tpu.vector_load %arg9[%get3A_333, %get3A_334] {strides = array<i32>} : memref<128x64xf32, #tpu.memory_space<vmem>>, vector<1x16xf32>,
          %get3A_336 = vector.shape_cast %get3A_335 : vector<1x16xf32> to vector<16xf32>
          %mul3A_337 = arith.mulf %get3A_336, %get3A_26 : vector<16xf32>
          %add3A_338 = arith.addf %mul3A_322, %mul3A_332 : vector<16xf32>
          %add3A_339 = arith.addf %mul3A_327, %mul3A_337 : vector<16xf32>
          %add3A_340 = arith.addf %add3A_338, %add3A_339 : vector<16xf32>
          %mul3A_341 = arith.constant 16 : i32
          %mul3A_342 = arith.muli %add3A_317, %mul3A_341 : i32
          %swap3A_343 = arith.index_cast %mul3A_342 : i32 to index
          %swap3A_344 = tpu.vector_load %arg13[%swap3A_343] {strides = array<i32>} : memref<2048xf32, #tpu.memory_space<vmem>>, vector<16xf32>,
          %swap3A_345 = vector.shape_cast %swap3A_344 : vector<16xf32> to vector<16xf32>
          %swap3A_346 = vector.shape_cast %add3A_340 : vector<16xf32> to vector<16xf32>
          tpu.vector_store %arg13[%swap3A_343], %swap3A_346 {strides = array<i32>} : memref<2048xf32, #tpu.memory_space<vmem>>, vector<16xf32>,
          %scan3A_347 = arith.constant 0 : i32
          scf.yield %scan3A_347 : i32
        }
        %scan3A_124 = arith.constant 32 : i32
        %add3A_125 = arith.constant 4 : i32
        %add3A_126 = arith.addi %add3A_106, %add3A_125 : i32
        %lt3A_127 = arith.constant 64 : i32
        %lt3A_128 = arith.cmpi slt, %add3A_126, %lt3A_127 : i32
        %convert_element_type3A_129 = arith.extui %lt3A_128 : i1 to i32
        %cond3A_130 = arith.constant 0 : i32
        %cond3A_131 = arith.cmpi ne, %convert_element_type3A_129, %cond3A_130 : i32
        scf.if %cond3A_131 {
          %add3A_214 = arith.constant 4 : i32
          %add3A_215 = arith.addi %add3A_106, %add3A_214 : i32
          %mul3A_216 = arith.constant 128 : i32
          %mul3A_217 = arith.muli %add3A_215, %mul3A_216 : i32
          %dma_start3A_218 = tpu.memref_slice %arg7[%mul3A_217] : memref<8192xi32, #tpu.memory_space<vmem>> -> memref<128xi32, #tpu.memory_space<vmem>>
          %dma_start3A_219 = arith.constant 0 : i32
          %dma_start3A_220 = arith.constant 0 : i32
          %dma_start3A_221 = tpu.memref_slice %arg4[%dma_start3A_219, %dma_start3A_220] : memref<1000000x64xf32, #tpu.memory_space<hbm>> -> memref<1000000x64xf32, #tpu.memory_space<hbm>>
          tpu.enqueue_indirect_dma source(%dma_start3A_221 : memref<1000000x64xf32, #tpu.memory_space<hbm>>) target(%arg9 : memref<128x64xf32, #tpu.memory_space<vmem>>) offsets(%dma_start3A_218 : memref<128xi32, #tpu.memory_space<vmem>>) semaphore(%arg15 : memref<!tpu.dma_semaphore, #tpu.memory_space<semaphore_mem>>)
        } else {
        }
        %mul3A_132 = arith.constant 8192 : i32
        %mul3A_133 = arith.muli %add3A_11, %mul3A_132 : i32
        %mul3A_134 = arith.constant 128 : i32
        %mul3A_135 = arith.muli %add3A_106, %mul3A_134 : i32
        %add3A_136 = arith.addi %mul3A_133, %mul3A_135 : i32
        %mul3A_137 = arith.constant 16 : i32
        %mul3A_138 = arith.muli %add3A_136, %mul3A_137 : i32
        %dma_start3A_139 = tpu.memref_slice %arg5[%mul3A_138] : memref<16777216xf32, #tpu.memory_space<hbm>> -> memref<2048xf32, #tpu.memory_space<hbm>>
        %dma_start3A_140 = tpu.memref_slice %arg5[%mul3A_138] : memref<16777216xf32, #tpu.memory_space<hbm>> -> memref<2048xf32, #tpu.memory_space<hbm>>
        tpu.enqueue_dma source(%arg13 : memref<2048xf32, #tpu.memory_space<vmem>>) target(%dma_start3A_140 : memref<2048xf32, #tpu.memory_space<hbm>>) target_semaphore(%arg19 : memref<!tpu.dma_semaphore, #tpu.memory_space<semaphore_mem>>)
        %add3A_141 = arith.constant 2 : i32
        %add3A_142 = arith.addi %mul3A_72, %add3A_141 : i32
        %mul3A_143 = arith.constant 128 : i32
        %mul3A_144 = arith.muli %add3A_142, %mul3A_143 : i32
        %dma_wait3A_145 = tpu.memref_slice %arg7[%mul3A_144] : memref<8192xi32, #tpu.memory_space<vmem>> -> memref<128xi32, #tpu.memory_space<vmem>>
        %dma_wait3A_146 = arith.constant 0 : i32
        %dma_wait3A_147 = arith.constant 0 : i32
        %dma_wait3A_148 = tpu.memref_slice %arg4[%dma_wait3A_146, %dma_wait3A_147] : memref<1000000x64xf32, #tpu.memory_space<hbm>> -> memref<1000000x64xf32, #tpu.memory_space<hbm>>
        tpu.wait_indirect_dma semaphore(%arg16 : memref<!tpu.dma_semaphore, #tpu.memory_space<semaphore_mem>>) src(%dma_wait3A_148 : memref<1000000x64xf32, #tpu.memory_space<hbm>>) dst(%arg10 : memref<128x64xf32, #tpu.memory_space<vmem>>)
        %ge3A_149 = arith.constant 2 : i32
        %ge3A_150 = arith.cmpi sge, %add3A_142, %ge3A_149 : i32
        %convert_element_type3A_151 = arith.extui %ge3A_150 : i1 to i32
        %cond3A_152 = arith.constant 0 : i32
        %cond3A_153 = arith.cmpi ne, %convert_element_type3A_151, %cond3A_152 : i32
        scf.if %cond3A_153 {
          %mul3A_214 = arith.constant 8192 : i32
          %mul3A_215 = arith.muli %add3A_11, %mul3A_214 : i32
          %mul3A_216 = arith.constant 128 : i32
          %mul3A_217 = arith.muli %add3A_142, %mul3A_216 : i32
          %add3A_218 = arith.addi %mul3A_215, %mul3A_217 : i32
          %mul3A_219 = arith.constant 16 : i32
          %mul3A_220 = arith.muli %add3A_218, %mul3A_219 : i32
          %dma_wait3A_221 = tpu.memref_slice %arg5[%mul3A_220] : memref<16777216xf32, #tpu.memory_space<hbm>> -> memref<2048xf32, #tpu.memory_space<hbm>>
          %dma_wait3A_222 = tpu.memref_slice %arg5[%mul3A_220] : memref<16777216xf32, #tpu.memory_space<hbm>> -> memref<2048xf32, #tpu.memory_space<hbm>>
          tpu.wait_dma2 semaphore(%arg18 : memref<!tpu.dma_semaphore, #tpu.memory_space<semaphore_mem>>) src(%arg12 : memref<2048xf32, #tpu.memory_space<vmem>>) dst(%dma_wait3A_222 : memref<2048xf32, #tpu.memory_space<hbm>>)
        } else {
        }
        %scan3A_154 = arith.constant 0 : i32
        %scan3A_155 = arith.constant 0 : i32
        %scan3A_156 = arith.constant 32 : i32
        %scan3A_157 = arith.addi %scan3A_155, %scan3A_156 : i32
        %scan3A_158 = arith.constant 1 : i32
        %scan3A_159 = scf.for %scan3A_214 = %scan3A_155 to %scan3A_157 step %scan3A_158 iter_args(%scan3A_215 = %scan3A_154) -> (i32)  : i32 {
          %mul3A_216 = arith.constant 4 : i32
          %mul3A_217 = arith.muli %scan3A_214, %mul3A_216 : i32
          %add3A_218 = arith.constant 0 : i32
          %add3A_219 = arith.addi %mul3A_217, %add3A_218 : i32
          %get3A_220 = arith.index_cast %add3A_219 : i32 to index
          %get3A_221 = arith.constant 0 : index
          %get3A_222 = tpu.vector_load %arg10[%get3A_220, %get3A_221] {strides = array<i32>} : memref<128x64xf32, #tpu.memory_space<vmem>>, vector<1x16xf32>,
          %get3A_223 = vector.shape_cast %get3A_222 : vector<1x16xf32> to vector<16xf32>
          %mul3A_224 = arith.mulf %get3A_223, %get3A_17 : vector<16xf32>
          %get3A_225 = arith.index_cast %add3A_219 : i32 to index
          %get3A_226 = arith.constant 16 : index
          %get3A_227 = tpu.vector_load %arg10[%get3A_225, %get3A_226] {strides = array<i32>} : memref<128x64xf32, #tpu.memory_space<vmem>>, vector<1x16xf32>,
          %get3A_228 = vector.shape_cast %get3A_227 : vector<1x16xf32> to vector<16xf32>
          %mul3A_229 = arith.mulf %get3A_228, %get3A_20 : vector<16xf32>
          %get3A_230 = arith.index_cast %add3A_219 : i32 to index
          %get3A_231 = arith.constant 32 : index
          %get3A_232 = tpu.vector_load %arg10[%get3A_230, %get3A_231] {strides = array<i32>} : memref<128x64xf32, #tpu.memory_space<vmem>>, vector<1x16xf32>,
          %get3A_233 = vector.shape_cast %get3A_232 : vector<1x16xf32> to vector<16xf32>
          %mul3A_234 = arith.mulf %get3A_233, %get3A_23 : vector<16xf32>
          %get3A_235 = arith.index_cast %add3A_219 : i32 to index
          %get3A_236 = arith.constant 48 : index
          %get3A_237 = tpu.vector_load %arg10[%get3A_235, %get3A_236] {strides = array<i32>} : memref<128x64xf32, #tpu.memory_space<vmem>>, vector<1x16xf32>,
          %get3A_238 = vector.shape_cast %get3A_237 : vector<1x16xf32> to vector<16xf32>
          %mul3A_239 = arith.mulf %get3A_238, %get3A_26 : vector<16xf32>
          %add3A_240 = arith.addf %mul3A_224, %mul3A_234 : vector<16xf32>
          %add3A_241 = arith.addf %mul3A_229, %mul3A_239 : vector<16xf32>
          %add3A_242 = arith.addf %add3A_240, %add3A_241 : vector<16xf32>
          %mul3A_243 = arith.constant 16 : i32
          %mul3A_244 = arith.muli %add3A_219, %mul3A_243 : i32
          %swap3A = arith.index_cast %mul3A_244 : i32 to index
          %swap3A_245 = tpu.vector_load %arg12[%swap3A] {strides = array<i32>} : memref<2048xf32, #tpu.memory_space<vmem>>, vector<16xf32>,
          %swap3A_246 = vector.shape_cast %swap3A_245 : vector<16xf32> to vector<16xf32>
          %swap3A_247 = vector.shape_cast %add3A_242 : vector<16xf32> to vector<16xf32>
          tpu.vector_store %arg12[%swap3A], %swap3A_247 {strides = array<i32>} : memref<2048xf32, #tpu.memory_space<vmem>>, vector<16xf32>,
          %mul3A_248 = arith.constant 4 : i32
          %mul3A_249 = arith.muli %scan3A_214, %mul3A_248 : i32
          %add3A_250 = arith.constant 1 : i32
          %add3A_251 = arith.addi %mul3A_249, %add3A_250 : i32
          %get3A_252 = arith.index_cast %add3A_251 : i32 to index
          %get3A_253 = arith.constant 0 : index
          %get3A_254 = tpu.vector_load %arg10[%get3A_252, %get3A_253] {strides = array<i32>} : memref<128x64xf32, #tpu.memory_space<vmem>>, vector<1x16xf32>,
          %get3A_255 = vector.shape_cast %get3A_254 : vector<1x16xf32> to vector<16xf32>
          %mul3A_256 = arith.mulf %get3A_255, %get3A_17 : vector<16xf32>
          %get3A_257 = arith.index_cast %add3A_251 : i32 to index
          %get3A_258 = arith.constant 16 : index
          %get3A_259 = tpu.vector_load %arg10[%get3A_257, %get3A_258] {strides = array<i32>} : memref<128x64xf32, #tpu.memory_space<vmem>>, vector<1x16xf32>,
          %get3A_260 = vector.shape_cast %get3A_259 : vector<1x16xf32> to vector<16xf32>
          %mul3A_261 = arith.mulf %get3A_260, %get3A_20 : vector<16xf32>
          %get3A_262 = arith.index_cast %add3A_251 : i32 to index
          %get3A_263 = arith.constant 32 : index
          %get3A_264 = tpu.vector_load %arg10[%get3A_262, %get3A_263] {strides = array<i32>} : memref<128x64xf32, #tpu.memory_space<vmem>>, vector<1x16xf32>,
          %get3A_265 = vector.shape_cast %get3A_264 : vector<1x16xf32> to vector<16xf32>
          %mul3A_266 = arith.mulf %get3A_265, %get3A_23 : vector<16xf32>
          %get3A_267 = arith.index_cast %add3A_251 : i32 to index
          %get3A_268 = arith.constant 48 : index
          %get3A_269 = tpu.vector_load %arg10[%get3A_267, %get3A_268] {strides = array<i32>} : memref<128x64xf32, #tpu.memory_space<vmem>>, vector<1x16xf32>,
          %get3A_270 = vector.shape_cast %get3A_269 : vector<1x16xf32> to vector<16xf32>
          %mul3A_271 = arith.mulf %get3A_270, %get3A_26 : vector<16xf32>
          %add3A_272 = arith.addf %mul3A_256, %mul3A_266 : vector<16xf32>
          %add3A_273 = arith.addf %mul3A_261, %mul3A_271 : vector<16xf32>
          %add3A_274 = arith.addf %add3A_272, %add3A_273 : vector<16xf32>
          %mul3A_275 = arith.constant 16 : i32
          %mul3A_276 = arith.muli %add3A_251, %mul3A_275 : i32
          %swap3A_277 = arith.index_cast %mul3A_276 : i32 to index
          %swap3A_278 = tpu.vector_load %arg12[%swap3A_277] {strides = array<i32>} : memref<2048xf32, #tpu.memory_space<vmem>>, vector<16xf32>,
          %swap3A_279 = vector.shape_cast %swap3A_278 : vector<16xf32> to vector<16xf32>
          %swap3A_280 = vector.shape_cast %add3A_274 : vector<16xf32> to vector<16xf32>
          tpu.vector_store %arg12[%swap3A_277], %swap3A_280 {strides = array<i32>} : memref<2048xf32, #tpu.memory_space<vmem>>, vector<16xf32>,
          %mul3A_281 = arith.constant 4 : i32
          %mul3A_282 = arith.muli %scan3A_214, %mul3A_281 : i32
          %add3A_283 = arith.constant 2 : i32
          %add3A_284 = arith.addi %mul3A_282, %add3A_283 : i32
          %get3A_285 = arith.index_cast %add3A_284 : i32 to index
          %get3A_286 = arith.constant 0 : index
          %get3A_287 = tpu.vector_load %arg10[%get3A_285, %get3A_286] {strides = array<i32>} : memref<128x64xf32, #tpu.memory_space<vmem>>, vector<1x16xf32>,
          %get3A_288 = vector.shape_cast %get3A_287 : vector<1x16xf32> to vector<16xf32>
          %mul3A_289 = arith.mulf %get3A_288, %get3A_17 : vector<16xf32>
          %get3A_290 = arith.index_cast %add3A_284 : i32 to index
          %get3A_291 = arith.constant 16 : index
          %get3A_292 = tpu.vector_load %arg10[%get3A_290, %get3A_291] {strides = array<i32>} : memref<128x64xf32, #tpu.memory_space<vmem>>, vector<1x16xf32>,
          %get3A_293 = vector.shape_cast %get3A_292 : vector<1x16xf32> to vector<16xf32>
          %mul3A_294 = arith.mulf %get3A_293, %get3A_20 : vector<16xf32>
          %get3A_295 = arith.index_cast %add3A_284 : i32 to index
          %get3A_296 = arith.constant 32 : index
          %get3A_297 = tpu.vector_load %arg10[%get3A_295, %get3A_296] {strides = array<i32>} : memref<128x64xf32, #tpu.memory_space<vmem>>, vector<1x16xf32>,
          %get3A_298 = vector.shape_cast %get3A_297 : vector<1x16xf32> to vector<16xf32>
          %mul3A_299 = arith.mulf %get3A_298, %get3A_23 : vector<16xf32>
          %get3A_300 = arith.index_cast %add3A_284 : i32 to index
          %get3A_301 = arith.constant 48 : index
          %get3A_302 = tpu.vector_load %arg10[%get3A_300, %get3A_301] {strides = array<i32>} : memref<128x64xf32, #tpu.memory_space<vmem>>, vector<1x16xf32>,
          %get3A_303 = vector.shape_cast %get3A_302 : vector<1x16xf32> to vector<16xf32>
          %mul3A_304 = arith.mulf %get3A_303, %get3A_26 : vector<16xf32>
          %add3A_305 = arith.addf %mul3A_289, %mul3A_299 : vector<16xf32>
          %add3A_306 = arith.addf %mul3A_294, %mul3A_304 : vector<16xf32>
          %add3A_307 = arith.addf %add3A_305, %add3A_306 : vector<16xf32>
          %mul3A_308 = arith.constant 16 : i32
          %mul3A_309 = arith.muli %add3A_284, %mul3A_308 : i32
          %swap3A_310 = arith.index_cast %mul3A_309 : i32 to index
          %swap3A_311 = tpu.vector_load %arg12[%swap3A_310] {strides = array<i32>} : memref<2048xf32, #tpu.memory_space<vmem>>, vector<16xf32>,
          %swap3A_312 = vector.shape_cast %swap3A_311 : vector<16xf32> to vector<16xf32>
          %swap3A_313 = vector.shape_cast %add3A_307 : vector<16xf32> to vector<16xf32>
          tpu.vector_store %arg12[%swap3A_310], %swap3A_313 {strides = array<i32>} : memref<2048xf32, #tpu.memory_space<vmem>>, vector<16xf32>,
          %mul3A_314 = arith.constant 4 : i32
          %mul3A_315 = arith.muli %scan3A_214, %mul3A_314 : i32
          %add3A_316 = arith.constant 3 : i32
          %add3A_317 = arith.addi %mul3A_315, %add3A_316 : i32
          %get3A_318 = arith.index_cast %add3A_317 : i32 to index
          %get3A_319 = arith.constant 0 : index
          %get3A_320 = tpu.vector_load %arg10[%get3A_318, %get3A_319] {strides = array<i32>} : memref<128x64xf32, #tpu.memory_space<vmem>>, vector<1x16xf32>,
          %get3A_321 = vector.shape_cast %get3A_320 : vector<1x16xf32> to vector<16xf32>
          %mul3A_322 = arith.mulf %get3A_321, %get3A_17 : vector<16xf32>
          %get3A_323 = arith.index_cast %add3A_317 : i32 to index
          %get3A_324 = arith.constant 16 : index
          %get3A_325 = tpu.vector_load %arg10[%get3A_323, %get3A_324] {strides = array<i32>} : memref<128x64xf32, #tpu.memory_space<vmem>>, vector<1x16xf32>,
          %get3A_326 = vector.shape_cast %get3A_325 : vector<1x16xf32> to vector<16xf32>
          %mul3A_327 = arith.mulf %get3A_326, %get3A_20 : vector<16xf32>
          %get3A_328 = arith.index_cast %add3A_317 : i32 to index
          %get3A_329 = arith.constant 32 : index
          %get3A_330 = tpu.vector_load %arg10[%get3A_328, %get3A_329] {strides = array<i32>} : memref<128x64xf32, #tpu.memory_space<vmem>>, vector<1x16xf32>,
          %get3A_331 = vector.shape_cast %get3A_330 : vector<1x16xf32> to vector<16xf32>
          %mul3A_332 = arith.mulf %get3A_331, %get3A_23 : vector<16xf32>
          %get3A_333 = arith.index_cast %add3A_317 : i32 to index
          %get3A_334 = arith.constant 48 : index
          %get3A_335 = tpu.vector_load %arg10[%get3A_333, %get3A_334] {strides = array<i32>} : memref<128x64xf32, #tpu.memory_space<vmem>>, vector<1x16xf32>,
          %get3A_336 = vector.shape_cast %get3A_335 : vector<1x16xf32> to vector<16xf32>
          %mul3A_337 = arith.mulf %get3A_336, %get3A_26 : vector<16xf32>
          %add3A_338 = arith.addf %mul3A_322, %mul3A_332 : vector<16xf32>
          %add3A_339 = arith.addf %mul3A_327, %mul3A_337 : vector<16xf32>
          %add3A_340 = arith.addf %add3A_338, %add3A_339 : vector<16xf32>
          %mul3A_341 = arith.constant 16 : i32
          %mul3A_342 = arith.muli %add3A_317, %mul3A_341 : i32
          %swap3A_343 = arith.index_cast %mul3A_342 : i32 to index
          %swap3A_344 = tpu.vector_load %arg12[%swap3A_343] {strides = array<i32>} : memref<2048xf32, #tpu.memory_space<vmem>>, vector<16xf32>,
          %swap3A_345 = vector.shape_cast %swap3A_344 : vector<16xf32> to vector<16xf32>
          %swap3A_346 = vector.shape_cast %add3A_340 : vector<16xf32> to vector<16xf32>
          tpu.vector_store %arg12[%swap3A_343], %swap3A_346 {strides = array<i32>} : memref<2048xf32, #tpu.memory_space<vmem>>, vector<16xf32>,
          %scan3A_347 = arith.constant 0 : i32
          scf.yield %scan3A_347 : i32
        }
        %scan3A_160 = arith.constant 32 : i32
        %add3A_161 = arith.constant 4 : i32
        %add3A_162 = arith.addi %add3A_142, %add3A_161 : i32
        %lt3A_163 = arith.constant 64 : i32
        %lt3A_164 = arith.cmpi slt, %add3A_162, %lt3A_163 : i32
        %convert_element_type3A_165 = arith.extui %lt3A_164 : i1 to i32
        %cond3A_166 = arith.constant 0 : i32
        %cond3A_167 = arith.cmpi ne, %convert_element_type3A_165, %cond3A_166 : i32
        scf.if %cond3A_167 {
          %add3A_214 = arith.constant 4 : i32
          %add3A_215 = arith.addi %add3A_142, %add3A_214 : i32
          %mul3A_216 = arith.constant 128 : i32
          %mul3A_217 = arith.muli %add3A_215, %mul3A_216 : i32
          %dma_start3A_218 = tpu.memref_slice %arg7[%mul3A_217] : memref<8192xi32, #tpu.memory_space<vmem>> -> memref<128xi32, #tpu.memory_space<vmem>>
          %dma_start3A_219 = arith.constant 0 : i32
          %dma_start3A_220 = arith.constant 0 : i32
          %dma_start3A_221 = tpu.memref_slice %arg4[%dma_start3A_219, %dma_start3A_220] : memref<1000000x64xf32, #tpu.memory_space<hbm>> -> memref<1000000x64xf32, #tpu.memory_space<hbm>>
          tpu.enqueue_indirect_dma source(%dma_start3A_221 : memref<1000000x64xf32, #tpu.memory_space<hbm>>) target(%arg10 : memref<128x64xf32, #tpu.memory_space<vmem>>) offsets(%dma_start3A_218 : memref<128xi32, #tpu.memory_space<vmem>>) semaphore(%arg16 : memref<!tpu.dma_semaphore, #tpu.memory_space<semaphore_mem>>)
        } else {
        }
        %mul3A_168 = arith.constant 8192 : i32
        %mul3A_169 = arith.muli %add3A_11, %mul3A_168 : i32
        %mul3A_170 = arith.constant 128 : i32
        %mul3A_171 = arith.muli %add3A_142, %mul3A_170 : i32
        %add3A_172 = arith.addi %mul3A_169, %mul3A_171 : i32
        %mul3A_173 = arith.constant 16 : i32
        %mul3A_174 = arith.muli %add3A_172, %mul3A_173 : i32
        %dma_start3A_175 = tpu.memref_slice %arg5[%mul3A_174] : memref<16777216xf32, #tpu.memory_space<hbm>> -> memref<2048xf32, #tpu.memory_space<hbm>>
        %dma_start3A_176 = tpu.memref_slice %arg5[%mul3A_174] : memref<16777216xf32, #tpu.memory_space<hbm>> -> memref<2048xf32, #tpu.memory_space<hbm>>
        tpu.enqueue_dma source(%arg12 : memref<2048xf32, #tpu.memory_space<vmem>>) target(%dma_start3A_176 : memref<2048xf32, #tpu.memory_space<hbm>>) target_semaphore(%arg18 : memref<!tpu.dma_semaphore, #tpu.memory_space<semaphore_mem>>)
        %add3A_177 = arith.constant 3 : i32
        %add3A_178 = arith.addi %mul3A_72, %add3A_177 : i32
        %mul3A_179 = arith.constant 128 : i32
        %mul3A_180 = arith.muli %add3A_178, %mul3A_179 : i32
        %dma_wait3A_181 = tpu.memref_slice %arg7[%mul3A_180] : memref<8192xi32, #tpu.memory_space<vmem>> -> memref<128xi32, #tpu.memory_space<vmem>>
        %dma_wait3A_182 = arith.constant 0 : i32
        %dma_wait3A_183 = arith.constant 0 : i32
        %dma_wait3A_184 = tpu.memref_slice %arg4[%dma_wait3A_182, %dma_wait3A_183] : memref<1000000x64xf32, #tpu.memory_space<hbm>> -> memref<1000000x64xf32, #tpu.memory_space<hbm>>
        tpu.wait_indirect_dma semaphore(%arg17 : memref<!tpu.dma_semaphore, #tpu.memory_space<semaphore_mem>>) src(%dma_wait3A_184 : memref<1000000x64xf32, #tpu.memory_space<hbm>>) dst(%arg11 : memref<128x64xf32, #tpu.memory_space<vmem>>)
        %ge3A_185 = arith.constant 2 : i32
        %ge3A_186 = arith.cmpi sge, %add3A_178, %ge3A_185 : i32
        %convert_element_type3A_187 = arith.extui %ge3A_186 : i1 to i32
        %cond3A_188 = arith.constant 0 : i32
        %cond3A_189 = arith.cmpi ne, %convert_element_type3A_187, %cond3A_188 : i32
        scf.if %cond3A_189 {
          %mul3A_214 = arith.constant 8192 : i32
          %mul3A_215 = arith.muli %add3A_11, %mul3A_214 : i32
          %mul3A_216 = arith.constant 128 : i32
          %mul3A_217 = arith.muli %add3A_178, %mul3A_216 : i32
          %add3A_218 = arith.addi %mul3A_215, %mul3A_217 : i32
          %mul3A_219 = arith.constant 16 : i32
          %mul3A_220 = arith.muli %add3A_218, %mul3A_219 : i32
          %dma_wait3A_221 = tpu.memref_slice %arg5[%mul3A_220] : memref<16777216xf32, #tpu.memory_space<hbm>> -> memref<2048xf32, #tpu.memory_space<hbm>>
          %dma_wait3A_222 = tpu.memref_slice %arg5[%mul3A_220] : memref<16777216xf32, #tpu.memory_space<hbm>> -> memref<2048xf32, #tpu.memory_space<hbm>>
          tpu.wait_dma2 semaphore(%arg19 : memref<!tpu.dma_semaphore, #tpu.memory_space<semaphore_mem>>) src(%arg13 : memref<2048xf32, #tpu.memory_space<vmem>>) dst(%dma_wait3A_222 : memref<2048xf32, #tpu.memory_space<hbm>>)
        } else {
        }
        %scan3A_190 = arith.constant 0 : i32
        %scan3A_191 = arith.constant 0 : i32
        %scan3A_192 = arith.constant 32 : i32
        %scan3A_193 = arith.addi %scan3A_191, %scan3A_192 : i32
        %scan3A_194 = arith.constant 1 : i32
        %scan3A_195 = scf.for %scan3A_214 = %scan3A_191 to %scan3A_193 step %scan3A_194 iter_args(%scan3A_215 = %scan3A_190) -> (i32)  : i32 {
          %mul3A_216 = arith.constant 4 : i32
          %mul3A_217 = arith.muli %scan3A_214, %mul3A_216 : i32
          %add3A_218 = arith.constant 0 : i32
          %add3A_219 = arith.addi %mul3A_217, %add3A_218 : i32
          %get3A_220 = arith.index_cast %add3A_219 : i32 to index
          %get3A_221 = arith.constant 0 : index
          %get3A_222 = tpu.vector_load %arg11[%get3A_220, %get3A_221] {strides = array<i32>} : memref<128x64xf32, #tpu.memory_space<vmem>>, vector<1x16xf32>,
          %get3A_223 = vector.shape_cast %get3A_222 : vector<1x16xf32> to vector<16xf32>
          %mul3A_224 = arith.mulf %get3A_223, %get3A_17 : vector<16xf32>
          %get3A_225 = arith.index_cast %add3A_219 : i32 to index
          %get3A_226 = arith.constant 16 : index
          %get3A_227 = tpu.vector_load %arg11[%get3A_225, %get3A_226] {strides = array<i32>} : memref<128x64xf32, #tpu.memory_space<vmem>>, vector<1x16xf32>,
          %get3A_228 = vector.shape_cast %get3A_227 : vector<1x16xf32> to vector<16xf32>
          %mul3A_229 = arith.mulf %get3A_228, %get3A_20 : vector<16xf32>
          %get3A_230 = arith.index_cast %add3A_219 : i32 to index
          %get3A_231 = arith.constant 32 : index
          %get3A_232 = tpu.vector_load %arg11[%get3A_230, %get3A_231] {strides = array<i32>} : memref<128x64xf32, #tpu.memory_space<vmem>>, vector<1x16xf32>,
          %get3A_233 = vector.shape_cast %get3A_232 : vector<1x16xf32> to vector<16xf32>
          %mul3A_234 = arith.mulf %get3A_233, %get3A_23 : vector<16xf32>
          %get3A_235 = arith.index_cast %add3A_219 : i32 to index
          %get3A_236 = arith.constant 48 : index
          %get3A_237 = tpu.vector_load %arg11[%get3A_235, %get3A_236] {strides = array<i32>} : memref<128x64xf32, #tpu.memory_space<vmem>>, vector<1x16xf32>,
          %get3A_238 = vector.shape_cast %get3A_237 : vector<1x16xf32> to vector<16xf32>
          %mul3A_239 = arith.mulf %get3A_238, %get3A_26 : vector<16xf32>
          %add3A_240 = arith.addf %mul3A_224, %mul3A_234 : vector<16xf32>
          %add3A_241 = arith.addf %mul3A_229, %mul3A_239 : vector<16xf32>
          %add3A_242 = arith.addf %add3A_240, %add3A_241 : vector<16xf32>
          %mul3A_243 = arith.constant 16 : i32
          %mul3A_244 = arith.muli %add3A_219, %mul3A_243 : i32
          %swap3A = arith.index_cast %mul3A_244 : i32 to index
          %swap3A_245 = tpu.vector_load %arg13[%swap3A] {strides = array<i32>} : memref<2048xf32, #tpu.memory_space<vmem>>, vector<16xf32>,
          %swap3A_246 = vector.shape_cast %swap3A_245 : vector<16xf32> to vector<16xf32>
          %swap3A_247 = vector.shape_cast %add3A_242 : vector<16xf32> to vector<16xf32>
          tpu.vector_store %arg13[%swap3A], %swap3A_247 {strides = array<i32>} : memref<2048xf32, #tpu.memory_space<vmem>>, vector<16xf32>,
          %mul3A_248 = arith.constant 4 : i32
          %mul3A_249 = arith.muli %scan3A_214, %mul3A_248 : i32
          %add3A_250 = arith.constant 1 : i32
          %add3A_251 = arith.addi %mul3A_249, %add3A_250 : i32
          %get3A_252 = arith.index_cast %add3A_251 : i32 to index
          %get3A_253 = arith.constant 0 : index
          %get3A_254 = tpu.vector_load %arg11[%get3A_252, %get3A_253] {strides = array<i32>} : memref<128x64xf32, #tpu.memory_space<vmem>>, vector<1x16xf32>,
          %get3A_255 = vector.shape_cast %get3A_254 : vector<1x16xf32> to vector<16xf32>
          %mul3A_256 = arith.mulf %get3A_255, %get3A_17 : vector<16xf32>
          %get3A_257 = arith.index_cast %add3A_251 : i32 to index
          %get3A_258 = arith.constant 16 : index
          %get3A_259 = tpu.vector_load %arg11[%get3A_257, %get3A_258] {strides = array<i32>} : memref<128x64xf32, #tpu.memory_space<vmem>>, vector<1x16xf32>,
          %get3A_260 = vector.shape_cast %get3A_259 : vector<1x16xf32> to vector<16xf32>
          %mul3A_261 = arith.mulf %get3A_260, %get3A_20 : vector<16xf32>
          %get3A_262 = arith.index_cast %add3A_251 : i32 to index
          %get3A_263 = arith.constant 32 : index
          %get3A_264 = tpu.vector_load %arg11[%get3A_262, %get3A_263] {strides = array<i32>} : memref<128x64xf32, #tpu.memory_space<vmem>>, vector<1x16xf32>,
          %get3A_265 = vector.shape_cast %get3A_264 : vector<1x16xf32> to vector<16xf32>
          %mul3A_266 = arith.mulf %get3A_265, %get3A_23 : vector<16xf32>
          %get3A_267 = arith.index_cast %add3A_251 : i32 to index
          %get3A_268 = arith.constant 48 : index
          %get3A_269 = tpu.vector_load %arg11[%get3A_267, %get3A_268] {strides = array<i32>} : memref<128x64xf32, #tpu.memory_space<vmem>>, vector<1x16xf32>,
          %get3A_270 = vector.shape_cast %get3A_269 : vector<1x16xf32> to vector<16xf32>
          %mul3A_271 = arith.mulf %get3A_270, %get3A_26 : vector<16xf32>
          %add3A_272 = arith.addf %mul3A_256, %mul3A_266 : vector<16xf32>
          %add3A_273 = arith.addf %mul3A_261, %mul3A_271 : vector<16xf32>
          %add3A_274 = arith.addf %add3A_272, %add3A_273 : vector<16xf32>
          %mul3A_275 = arith.constant 16 : i32
          %mul3A_276 = arith.muli %add3A_251, %mul3A_275 : i32
          %swap3A_277 = arith.index_cast %mul3A_276 : i32 to index
          %swap3A_278 = tpu.vector_load %arg13[%swap3A_277] {strides = array<i32>} : memref<2048xf32, #tpu.memory_space<vmem>>, vector<16xf32>,
          %swap3A_279 = vector.shape_cast %swap3A_278 : vector<16xf32> to vector<16xf32>
          %swap3A_280 = vector.shape_cast %add3A_274 : vector<16xf32> to vector<16xf32>
          tpu.vector_store %arg13[%swap3A_277], %swap3A_280 {strides = array<i32>} : memref<2048xf32, #tpu.memory_space<vmem>>, vector<16xf32>,
          %mul3A_281 = arith.constant 4 : i32
          %mul3A_282 = arith.muli %scan3A_214, %mul3A_281 : i32
          %add3A_283 = arith.constant 2 : i32
          %add3A_284 = arith.addi %mul3A_282, %add3A_283 : i32
          %get3A_285 = arith.index_cast %add3A_284 : i32 to index
          %get3A_286 = arith.constant 0 : index
          %get3A_287 = tpu.vector_load %arg11[%get3A_285, %get3A_286] {strides = array<i32>} : memref<128x64xf32, #tpu.memory_space<vmem>>, vector<1x16xf32>,
          %get3A_288 = vector.shape_cast %get3A_287 : vector<1x16xf32> to vector<16xf32>
          %mul3A_289 = arith.mulf %get3A_288, %get3A_17 : vector<16xf32>
          %get3A_290 = arith.index_cast %add3A_284 : i32 to index
          %get3A_291 = arith.constant 16 : index
          %get3A_292 = tpu.vector_load %arg11[%get3A_290, %get3A_291] {strides = array<i32>} : memref<128x64xf32, #tpu.memory_space<vmem>>, vector<1x16xf32>,
          %get3A_293 = vector.shape_cast %get3A_292 : vector<1x16xf32> to vector<16xf32>
          %mul3A_294 = arith.mulf %get3A_293, %get3A_20 : vector<16xf32>
          %get3A_295 = arith.index_cast %add3A_284 : i32 to index
          %get3A_296 = arith.constant 32 : index
          %get3A_297 = tpu.vector_load %arg11[%get3A_295, %get3A_296] {strides = array<i32>} : memref<128x64xf32, #tpu.memory_space<vmem>>, vector<1x16xf32>,
          %get3A_298 = vector.shape_cast %get3A_297 : vector<1x16xf32> to vector<16xf32>
          %mul3A_299 = arith.mulf %get3A_298, %get3A_23 : vector<16xf32>
          %get3A_300 = arith.index_cast %add3A_284 : i32 to index
          %get3A_301 = arith.constant 48 : index
          %get3A_302 = tpu.vector_load %arg11[%get3A_300, %get3A_301] {strides = array<i32>} : memref<128x64xf32, #tpu.memory_space<vmem>>, vector<1x16xf32>,
          %get3A_303 = vector.shape_cast %get3A_302 : vector<1x16xf32> to vector<16xf32>
          %mul3A_304 = arith.mulf %get3A_303, %get3A_26 : vector<16xf32>
          %add3A_305 = arith.addf %mul3A_289, %mul3A_299 : vector<16xf32>
          %add3A_306 = arith.addf %mul3A_294, %mul3A_304 : vector<16xf32>
          %add3A_307 = arith.addf %add3A_305, %add3A_306 : vector<16xf32>
          %mul3A_308 = arith.constant 16 : i32
          %mul3A_309 = arith.muli %add3A_284, %mul3A_308 : i32
          %swap3A_310 = arith.index_cast %mul3A_309 : i32 to index
          %swap3A_311 = tpu.vector_load %arg13[%swap3A_310] {strides = array<i32>} : memref<2048xf32, #tpu.memory_space<vmem>>, vector<16xf32>,
          %swap3A_312 = vector.shape_cast %swap3A_311 : vector<16xf32> to vector<16xf32>
          %swap3A_313 = vector.shape_cast %add3A_307 : vector<16xf32> to vector<16xf32>
          tpu.vector_store %arg13[%swap3A_310], %swap3A_313 {strides = array<i32>} : memref<2048xf32, #tpu.memory_space<vmem>>, vector<16xf32>,
          %mul3A_314 = arith.constant 4 : i32
          %mul3A_315 = arith.muli %scan3A_214, %mul3A_314 : i32
          %add3A_316 = arith.constant 3 : i32
          %add3A_317 = arith.addi %mul3A_315, %add3A_316 : i32
          %get3A_318 = arith.index_cast %add3A_317 : i32 to index
          %get3A_319 = arith.constant 0 : index
          %get3A_320 = tpu.vector_load %arg11[%get3A_318, %get3A_319] {strides = array<i32>} : memref<128x64xf32, #tpu.memory_space<vmem>>, vector<1x16xf32>,
          %get3A_321 = vector.shape_cast %get3A_320 : vector<1x16xf32> to vector<16xf32>
          %mul3A_322 = arith.mulf %get3A_321, %get3A_17 : vector<16xf32>
          %get3A_323 = arith.index_cast %add3A_317 : i32 to index
          %get3A_324 = arith.constant 16 : index
          %get3A_325 = tpu.vector_load %arg11[%get3A_323, %get3A_324] {strides = array<i32>} : memref<128x64xf32, #tpu.memory_space<vmem>>, vector<1x16xf32>,
          %get3A_326 = vector.shape_cast %get3A_325 : vector<1x16xf32> to vector<16xf32>
          %mul3A_327 = arith.mulf %get3A_326, %get3A_20 : vector<16xf32>
          %get3A_328 = arith.index_cast %add3A_317 : i32 to index
          %get3A_329 = arith.constant 32 : index
          %get3A_330 = tpu.vector_load %arg11[%get3A_328, %get3A_329] {strides = array<i32>} : memref<128x64xf32, #tpu.memory_space<vmem>>, vector<1x16xf32>,
          %get3A_331 = vector.shape_cast %get3A_330 : vector<1x16xf32> to vector<16xf32>
          %mul3A_332 = arith.mulf %get3A_331, %get3A_23 : vector<16xf32>
          %get3A_333 = arith.index_cast %add3A_317 : i32 to index
          %get3A_334 = arith.constant 48 : index
          %get3A_335 = tpu.vector_load %arg11[%get3A_333, %get3A_334] {strides = array<i32>} : memref<128x64xf32, #tpu.memory_space<vmem>>, vector<1x16xf32>,
          %get3A_336 = vector.shape_cast %get3A_335 : vector<1x16xf32> to vector<16xf32>
          %mul3A_337 = arith.mulf %get3A_336, %get3A_26 : vector<16xf32>
          %add3A_338 = arith.addf %mul3A_322, %mul3A_332 : vector<16xf32>
          %add3A_339 = arith.addf %mul3A_327, %mul3A_337 : vector<16xf32>
          %add3A_340 = arith.addf %add3A_338, %add3A_339 : vector<16xf32>
          %mul3A_341 = arith.constant 16 : i32
          %mul3A_342 = arith.muli %add3A_317, %mul3A_341 : i32
          %swap3A_343 = arith.index_cast %mul3A_342 : i32 to index
          %swap3A_344 = tpu.vector_load %arg13[%swap3A_343] {strides = array<i32>} : memref<2048xf32, #tpu.memory_space<vmem>>, vector<16xf32>,
          %swap3A_345 = vector.shape_cast %swap3A_344 : vector<16xf32> to vector<16xf32>
          %swap3A_346 = vector.shape_cast %add3A_340 : vector<16xf32> to vector<16xf32>
          tpu.vector_store %arg13[%swap3A_343], %swap3A_346 {strides = array<i32>} : memref<2048xf32, #tpu.memory_space<vmem>>, vector<16xf32>,
          %scan3A_347 = arith.constant 0 : i32
          scf.yield %scan3A_347 : i32
        }
        %scan3A_196 = arith.constant 32 : i32
        %add3A_197 = arith.constant 4 : i32
        %add3A_198 = arith.addi %add3A_178, %add3A_197 : i32
        %lt3A_199 = arith.constant 64 : i32
        %lt3A_200 = arith.cmpi slt, %add3A_198, %lt3A_199 : i32
        %convert_element_type3A_201 = arith.extui %lt3A_200 : i1 to i32
        %cond3A_202 = arith.constant 0 : i32
        %cond3A_203 = arith.cmpi ne, %convert_element_type3A_201, %cond3A_202 : i32
        scf.if %cond3A_203 {
          %add3A_214 = arith.constant 4 : i32
          %add3A_215 = arith.addi %add3A_178, %add3A_214 : i32
          %mul3A_216 = arith.constant 128 : i32
          %mul3A_217 = arith.muli %add3A_215, %mul3A_216 : i32
          %dma_start3A_218 = tpu.memref_slice %arg7[%mul3A_217] : memref<8192xi32, #tpu.memory_space<vmem>> -> memref<128xi32, #tpu.memory_space<vmem>>
          %dma_start3A_219 = arith.constant 0 : i32
          %dma_start3A_220 = arith.constant 0 : i32
          %dma_start3A_221 = tpu.memref_slice %arg4[%dma_start3A_219, %dma_start3A_220] : memref<1000000x64xf32, #tpu.memory_space<hbm>> -> memref<1000000x64xf32, #tpu.memory_space<hbm>>
          tpu.enqueue_indirect_dma source(%dma_start3A_221 : memref<1000000x64xf32, #tpu.memory_space<hbm>>) target(%arg11 : memref<128x64xf32, #tpu.memory_space<vmem>>) offsets(%dma_start3A_218 : memref<128xi32, #tpu.memory_space<vmem>>) semaphore(%arg17 : memref<!tpu.dma_semaphore, #tpu.memory_space<semaphore_mem>>)
        } else {
        }
        %mul3A_204 = arith.constant 8192 : i32
        %mul3A_205 = arith.muli %add3A_11, %mul3A_204 : i32
        %mul3A_206 = arith.constant 128 : i32
        %mul3A_207 = arith.muli %add3A_178, %mul3A_206 : i32
        %add3A_208 = arith.addi %mul3A_205, %mul3A_207 : i32
        %mul3A_209 = arith.constant 16 : i32
        %mul3A_210 = arith.muli %add3A_208, %mul3A_209 : i32
        %dma_start3A_211 = tpu.memref_slice %arg5[%mul3A_210] : memref<16777216xf32, #tpu.memory_space<hbm>> -> memref<2048xf32, #tpu.memory_space<hbm>>
        %dma_start3A_212 = tpu.memref_slice %arg5[%mul3A_210] : memref<16777216xf32, #tpu.memory_space<hbm>> -> memref<2048xf32, #tpu.memory_space<hbm>>
        tpu.enqueue_dma source(%arg13 : memref<2048xf32, #tpu.memory_space<vmem>>) target(%dma_start3A_212 : memref<2048xf32, #tpu.memory_space<hbm>>) target_semaphore(%arg19 : memref<!tpu.dma_semaphore, #tpu.memory_space<semaphore_mem>>)
        %scan3A_213 = arith.constant 0 : i32
        scf.yield %scan3A_213 : i32
      }
      %scan3A_52 = arith.constant 16 : i32
      %mul3A_53 = arith.constant 8192 : i32
      %mul3A_54 = arith.muli %add3A_11, %mul3A_53 : i32
      %add3A_55 = arith.constant 0 : i32
      %add3A_56 = arith.addi %mul3A_54, %add3A_55 : i32
      %mul3A_57 = arith.constant 16 : i32
      %mul3A_58 = arith.muli %add3A_56, %mul3A_57 : i32
      %dma_wait3A = tpu.memref_slice %arg5[%mul3A_58] : memref<16777216xf32, #tpu.memory_space<hbm>> -> memref<2048xf32, #tpu.memory_space<hbm>>
      %dma_wait3A_59 = tpu.memref_slice %arg5[%mul3A_58] : memref<16777216xf32, #tpu.memory_space<hbm>> -> memref<2048xf32, #tpu.memory_space<hbm>>
      tpu.wait_dma2 semaphore(%arg18 : memref<!tpu.dma_semaphore, #tpu.memory_space<semaphore_mem>>) src(%arg12 : memref<2048xf32, #tpu.memory_space<vmem>>) dst(%dma_wait3A_59 : memref<2048xf32, #tpu.memory_space<hbm>>)
      %mul3A_60 = arith.constant 8192 : i32
      %mul3A_61 = arith.muli %add3A_11, %mul3A_60 : i32
      %add3A_62 = arith.constant 128 : i32
      %add3A_63 = arith.addi %mul3A_61, %add3A_62 : i32
      %mul3A_64 = arith.constant 16 : i32
      %mul3A_65 = arith.muli %add3A_63, %mul3A_64 : i32
      %dma_wait3A_66 = tpu.memref_slice %arg5[%mul3A_65] : memref<16777216xf32, #tpu.memory_space<hbm>> -> memref<2048xf32, #tpu.memory_space<hbm>>
      %dma_wait3A_67 = tpu.memref_slice %arg5[%mul3A_65] : memref<16777216xf32, #tpu.memory_space<hbm>> -> memref<2048xf32, #tpu.memory_space<hbm>>
      tpu.wait_dma2 semaphore(%arg19 : memref<!tpu.dma_semaphore, #tpu.memory_space<semaphore_mem>>) src(%arg13 : memref<2048xf32, #tpu.memory_space<vmem>>) dst(%dma_wait3A_67 : memref<2048xf32, #tpu.memory_space<hbm>>)
      %scan3A_68 = arith.constant 0 : i32
      scf.yield %scan3A_68 : i32
    }
    %scan3A_6 = arith.constant 4 : i32
    return
  }
}

module attributes {stable_mosaic.version = 14 : i64} {
  func.func @_reduce16_body(%arg0: i32, %arg1: memref<2048x128xf32, #tpu.memory_space<vmem>>, %arg2: memref<2048x8xf32, #tpu.memory_space<vmem>>) attributes {dimension_semantics = [#tpu.dimension_semantics<arbitrary>], iteration_bounds = array<i64: 64>, scalar_prefetch = 0 : i64, scratch_operands = 0 : i64, tpu.core_type = #tpu.core_type<tc>, window_params = [{transform_indices = @transform_0, window_bounds = array<i64: 2048, 128>}, {transform_indices = @transform_1, window_bounds = array<i64: 2048, 8>}]} {
    %get3A = arith.constant 0 : index
    %get3A_0 = arith.constant 0 : index
    %get3A_1 = vector.load %arg1[%get3A, %get3A_0] : memref<2048x128xf32, #tpu.memory_space<vmem>>, vector<2048x128xf32>
    %roll3A = arith.constant 120 : i32
    %roll3A_2 = tpu.dynamic_rotate %get3A_1 by %roll3A dim 1 : vector<2048x128xf32>, i32 -> vector<2048x128xf32>
    %add3A = arith.addf %get3A_1, %roll3A_2 : vector<2048x128xf32>
    %roll3A_3 = arith.constant 124 : i32
    %roll3A_4 = tpu.dynamic_rotate %add3A by %roll3A_3 dim 1 : vector<2048x128xf32>, i32 -> vector<2048x128xf32>
    %add3A_5 = arith.addf %add3A, %roll3A_4 : vector<2048x128xf32>
    %roll3A_6 = arith.constant 126 : i32
    %roll3A_7 = tpu.dynamic_rotate %add3A_5 by %roll3A_6 dim 1 : vector<2048x128xf32>, i32 -> vector<2048x128xf32>
    %add3A_8 = arith.addf %add3A_5, %roll3A_7 : vector<2048x128xf32>
    %roll3A_9 = arith.constant 127 : i32
    %roll3A_10 = tpu.dynamic_rotate %add3A_8 by %roll3A_9 dim 1 : vector<2048x128xf32>, i32 -> vector<2048x128xf32>
    %add3A_11 = arith.addf %add3A_8, %roll3A_10 : vector<2048x128xf32>
    %iota3A = tpu.iota {dimensions = array<i32: 0>} : vector<128x8xi32>
    %iota3A_12 = tpu.iota {dimensions = array<i32: 1>} : vector<128x8xi32>
    %mul3A = arith.constant 16 : i32
    %mul3A_13 = vector.broadcast %mul3A : i32 to vector<128x8xi32>
    %mul3A_14 = arith.muli %mul3A_13, %iota3A_12 : vector<128x8xi32>
    %eq3A = arith.cmpi eq, %iota3A, %mul3A_14 : vector<128x8xi32>
    %convert_element_type3A = arith.extui %eq3A : vector<128x8xi1> to vector<128x8xi32>
    %convert_element_type3A_15 = arith.sitofp %convert_element_type3A : vector<128x8xi32> to vector<128x8xf32>
    %dot_general3A = arith.constant dense<0.000000e+00> : vector<2048x8xf32>
    %dot_general3A_16 = tpu.matmul %add3A_11, %convert_element_type3A_15, %dot_general3A {dimension_numbers = #tpu.dot_dimension_numbers<[1], [0], [0], [1], [0, 0, 1, 1], [], []>, precision = #tpu.contract_precision<fp32>, transpose_lhs_hint = false} : vector<2048x128xf32>, vector<128x8xf32>, vector<2048x8xf32> -> vector<2048x8xf32>
    %swap3A = arith.constant 0 : index
    %swap3A_17 = arith.constant 0 : index
    %swap3A_18 = vector.load %arg2[%swap3A, %swap3A_17] : memref<2048x8xf32, #tpu.memory_space<vmem>>, vector<2048x8xf32>
    tpu.vector_store %arg2[%swap3A, %swap3A_17], %dot_general3A_16 {strides = array<i32>} : memref<2048x8xf32, #tpu.memory_space<vmem>>, vector<2048x8xf32>,
    return
  }
  func.func @transform_0(%arg0: i32) -> (i32, i32) {
    %c0_i32 = arith.constant 0 : i32
    %c0_i32_0 = arith.constant 0 : i32
    return %arg0, %c0_i32 : i32, i32
  }
  func.func @transform_1(%arg0: i32) -> (i32, i32) {
    %c0_i32 = arith.constant 0 : i32
    %c0_i32_0 = arith.constant 0 : i32
    return %arg0, %c0_i32 : i32, i32
  }
}

module attributes {stable_mosaic.version = 14 : i64} {
  func.func @_topk_body(%arg0: i32, %arg1: memref<32x8192xf32, #tpu.memory_space<vmem>>, %arg2: memref<32x8192xi32, #tpu.memory_space<vmem>>, %arg3: memref<32x64xi32, #tpu.memory_space<vmem>>) attributes {dimension_semantics = [#tpu.dimension_semantics<arbitrary>], iteration_bounds = array<i64: 4>, scalar_prefetch = 0 : i64, scratch_operands = 0 : i64, tpu.core_type = #tpu.core_type<tc>, window_params = [{transform_indices = @transform_0, window_bounds = array<i64: 32, 8192>}, {transform_indices = @transform_1, window_bounds = array<i64: 32, 8192>}, {transform_indices = @transform_2, window_bounds = array<i64: 32, 64>}]} {
    %get3A = arith.constant 0 : index
    %get3A_0 = arith.constant 0 : index
    %get3A_1 = vector.load %arg2[%get3A, %get3A_0] : memref<32x8192xi32, #tpu.memory_space<vmem>>, vector<32x8192xi32>
    %lt3A = arith.constant 2 : i32
    %lt3A_2 = vector.broadcast %lt3A : i32 to vector<32x8192xi32>
    %lt3A_3 = arith.cmpi slt, %get3A_1, %lt3A_2 : vector<32x8192xi32>
    %get3A_4 = arith.constant 0 : index
    %get3A_5 = arith.constant 0 : index
    %get3A_6 = vector.load %arg1[%get3A_4, %get3A_5] : memref<32x8192xf32, #tpu.memory_space<vmem>>, vector<32x8192xf32>
    %jit3A = arith.constant 0xFF800000 : f32
    %broadcast_in_dim3A = vector.broadcast %jit3A : f32 to vector<32x8192xf32>
    %select_n3A = arith.select %lt3A_3, %broadcast_in_dim3A, %get3A_6 : vector<32x8192xi1>, vector<32x8192xf32>
    %iota3A = tpu.iota {dimensions = array<i32: 1>} : vector<32x8192xi32>
    %iota3A_7 = tpu.iota {dimensions = array<i32: 1>} : vector<32x64xi32>
    %broadcast_in_dim3A_8 = arith.constant 0 : i32
    %broadcast_in_dim3A_9 = vector.broadcast %broadcast_in_dim3A_8 : i32 to vector<32x64xi32>
    %scan3A = arith.constant 0 : i32
    %scan3A_10 = arith.constant 64 : i32
    %scan3A_11 = arith.addi %scan3A, %scan3A_10 : i32
    %scan3A_12 = arith.constant 1 : i32
    %scan3A_13:2 = scf.for %scan3A_17 = %scan3A to %scan3A_11 step %scan3A_12 iter_args(%scan3A_18 = %select_n3A, %scan3A_19 = %broadcast_in_dim3A_9) -> (vector<32x8192xf32>, vector<32x64xi32>)  : i32 {
      %reduce_max3A = arith.constant dense<0xFF800000> : vector<32xf32>
      %reduce_max3A_20 = vector.multi_reduction <maximumf>, %scan3A_18, %reduce_max3A [1] : vector<32x8192xf32> to vector<32xf32>
      %broadcast_in_dim3A_21 = vector.shape_cast %reduce_max3A_20 : vector<32xf32> to vector<32x1xf32>
      %eq3A = vector.broadcast %broadcast_in_dim3A_21 : vector<32x1xf32> to vector<32x8192xf32>
      %eq3A_22 = arith.cmpf oeq, %scan3A_18, %eq3A : vector<32x8192xf32>
      %jit3A_23 = arith.constant 8192 : i32
      %broadcast_in_dim3A_24 = vector.broadcast %jit3A_23 : i32 to vector<32x8192xi32>
      %select_n3A_25 = arith.select %eq3A_22, %iota3A, %broadcast_in_dim3A_24 : vector<32x8192xi1>, vector<32x8192xi32>
      %reduce_min3A = arith.constant dense<2147483647> : vector<32xi32>
      %reduce_min3A_26 = vector.multi_reduction <minsi>, %select_n3A_25, %reduce_min3A [1] : vector<32x8192xi32> to vector<32xi32>
      %broadcast_in_dim3A_27 = vector.shape_cast %reduce_min3A_26 : vector<32xi32> to vector<32x1xi32>
      %eq3A_28 = vector.broadcast %broadcast_in_dim3A_27 : vector<32x1xi32> to vector<32x8192xi32>
      %eq3A_29 = arith.cmpi eq, %iota3A, %eq3A_28 : vector<32x8192xi32>
      %jit3A_30 = arith.constant -1 : i32
      %broadcast_in_dim3A_31 = vector.broadcast %jit3A_30 : i32 to vector<32x8192xi32>
      %select_n3A_32 = arith.select %eq3A_29, %get3A_1, %broadcast_in_dim3A_31 : vector<32x8192xi1>, vector<32x8192xi32>
      %reduce_max3A_33 = arith.constant dense<-2147483648> : vector<32xi32>
      %reduce_max3A_34 = vector.multi_reduction <maxsi>, %select_n3A_32, %reduce_max3A_33 [1] : vector<32x8192xi32> to vector<32xi32>
      %broadcast_in_dim3A_35 = vector.shape_cast %reduce_max3A_34 : vector<32xi32> to vector<32x1xi32>
      %eq3A_36 = vector.broadcast %scan3A_17 : i32 to vector<32x64xi32>
      %eq3A_37 = arith.cmpi eq, %iota3A_7, %eq3A_36 : vector<32x64xi32>
      %broadcast_in_dim3A_38 = vector.shape_cast %broadcast_in_dim3A_35 : vector<32x1xi32> to vector<32x1xi32>
      %broadcast_in_dim3A_39 = vector.broadcast %broadcast_in_dim3A_38 : vector<32x1xi32> to vector<32x64xi32>
      %select_n3A_40 = arith.select %eq3A_37, %broadcast_in_dim3A_39, %scan3A_19 : vector<32x64xi1>, vector<32x64xi32>
      %jit3A_41 = arith.constant 0xFF800000 : f32
      %broadcast_in_dim3A_42 = vector.broadcast %jit3A_41 : f32 to vector<32x8192xf32>
      %select_n3A_43 = arith.select %eq3A_29, %broadcast_in_dim3A_42, %scan3A_18 : vector<32x8192xi1>, vector<32x8192xf32>
      scf.yield %select_n3A_43, %select_n3A_40 : vector<32x8192xf32>, vector<32x64xi32>
    }
    %scan3A_14 = arith.constant 64 : i32
    %swap3A = arith.constant 0 : index
    %swap3A_15 = arith.constant 0 : index
    %swap3A_16 = vector.load %arg3[%swap3A, %swap3A_15] : memref<32x64xi32, #tpu.memory_space<vmem>>, vector<32x64xi32>
    tpu.vector_store %arg3[%swap3A, %swap3A_15], %scan3A_13#1 {strides = array<i32>} : memref<32x64xi32, #tpu.memory_space<vmem>>, vector<32x64xi32>,
    return
  }
  func.func @transform_0(%arg0: i32) -> (i32, i32) {
    %c0_i32 = arith.constant 0 : i32
    %c0_i32_0 = arith.constant 0 : i32
    return %arg0, %c0_i32 : i32, i32
  }
  func.func @transform_1(%arg0: i32) -> (i32, i32) {
    %c0_i32 = arith.constant 0 : i32
    %c0_i32_0 = arith.constant 0 : i32
    return %arg0, %c0_i32 : i32, i32
  }
  func.func @transform_2(%arg0: i32) -> (i32, i32) {
    %c0_i32 = arith.constant 0 : i32
    %c0_i32_0 = arith.constant 0 : i32
    return %arg0, %c0_i32 : i32, i32
  }
}

</mosaic_0001>

<sc_bundles>
// kernel: kernel.5.cloned.1.call-start
scs
__scs_entry_jumppad:
0x0: {  	(pc) =	sbr.rel $0x88, $3  }
0x1: {  	(tag) =	ssettag $0x0;
	lr =	simm.s32 $0x1  }
0x2: {  	[smem:$0x3F9A] =	sst lr;
	_ =	strace $0xD0000000  }
0x3: {  	_ = 	snop  }
0x4: {  	_ = 	snop  }
0x5: {  	_ = 	snop  }
0x6: {  	_ = 	snop  }
0x7: {  	_ = 	snop  }
__scs_overlays_trampoline_lowered:
0x8: {  	[smem:$0x3FA9] =	sst s0  }
0x9: {  	[smem:$0x3FAA] =	sst s1  }
0xa: {  	[smem:$0x3FAB] =	sst s2  }
0xb: {  	[smem:$0x3FAC] =	sst s3  }
0xc: {  	[smem:$0x3FAD] =	sst s4  }
0xd: {  	[smem:$0x3FAE] =	sst s5  }
0xe: {  	[smem:$0x3FAF] =	sst s6  }
0xf: {  	[smem:$0x3FB0] =	sst s7  }
0x10: {  	[smem:$0x3FB1] =	sst s8  }
0x11: {  	[smem:$0x3FB2] =	sst s9;
	s0 =	simm.s32 @!p0 $0x0  }
0x12: {  	s1 =	sld [smem:$0x3F98];
	s0 =	simm.s32 @p0 $0x1  }
0x13: {  	[smem:$0x3FB3] =	sst s0;
	s0 =	simm.s32 @!p1 $0x0  }
0x14: {  	s2 =	sld [smem:$0x3F97];
	s0 =	simm.s32 @p1 $0x1  }
0x15: {  	[smem:$0x3FB4] =	sst s0;
	s0 =	simm.s32 @!p2 $0x0  }
0x16: {  	s3 =	sld [smem:$0x3FDB];
	s0 =	simm.s32 @p2 $0x1  }
0x17: {  	s4 =	simm.s32 $0x1BF5;
	[smem:$0x3FB6] =	sst s0  }
0x18: {  	s0 =	sld [smem:$0x3F99];
	_ =	swait.ge [sflag:s4], $0x0  }
0x19: {  	s7 =	sld [smem:$0x3F9A]  }
0x1a: {  	s8 =	sadd.s32 $0xFFFFE003, lr  }
0x1b: {  	s9 =	sadd.s32 $0xFFFFFEF7, lr;
	s5 =	simm.s32 $0xFFFFFFFF;
	p2 =	slt.u32 s8, $0xFFFFF086  }
0x1c: {  	p1 =	slt.u32 s9, $0xF7A;
	s5 =	simm.s32 @!p2 $0x0  }
0x1d: {  	s5 =	simm.s32 @p1 $0x1;
	p0 =	seq.s32 s7, s2  }
0x1e: {  	s7 =	smul.u32 @!p0 $0xF7A, s2;
	p2 =	seq.s32 @!p0 s5, $0x0  }
0x1f: {  	s9 =	smul.u32 $0xF7A, s1;
	s8 =	simm.s32 @!p0 $0x1BF5;
	p2 =	por !p2, p0  }
0x20: {  	[sflag:s8] =	ssyncset.s32 @!p0 $0xFFFFF086;
	s6 =	sadd.s32 @!p0 s3, s7;
	s7 =	simm.s32 @!p0 $0x108  }
0x21: {  	s3 =	sadd.s32 s3, s9;
	s6 =	sadd.s32 @!p0 $0x88, s6;
	s7 =	simm.s32 @p2 $0x1082  }
0x22: {  	[simem:s7], [sflag:s8] =	dma.local @!p0 [hbm:s6], $0xF7A  }
0x23: {  	s9 =	sor.u32 $0xD0000000, s2;
	s6 =	simm.s32 $0x108;
	_ =	swait.ge @!p0 [sflag:s8], $0x0  }
0x24: {  	s3 =	sadd.s32 $0x88, s3;
	s6 =	simm.s32 @!p1 $0x1082;
	[sflag:s4] =	ssyncset.s32 $0xFFFFF086  }
0x25: {  	[simem:s6], [sflag:s4] =	dma.local [hbm:s3], $0xF7A  }
0x26: {  	[smem:$0x3F9A] =	sst s1;
	(tag) =	ssettag s2;
	_ =	strace s9  }
0x27: {  	s1 =	sld [smem:$0x3FAA]  }
0x28: {  	s2 =	sld [smem:$0x3FAB]  }
0x29: {  	s4 =	sld [smem:$0x3FAD]  }
0x2a: {  	p0 =	seq.s32 s5, $0x0;
	s5 =	sld [smem:$0x3FAE]  }
0x2b: {  	s6 =	sld [smem:$0x3FAF]  }
0x2c: {  	s7 =	sld [smem:$0x3FB0]  }
0x2d: {  	s3 =	simm.s32 $0x108;
	s8 =	sld [smem:$0x3FB1]  }
0x2e: {  	s3 =	simm.s32 @!p0 $0x1082;
	s9 =	sld [smem:$0x3FB2]  }
0x2f: {  	lr =	sadd.s32 s0, s3;
	s0 =	sld [smem:$0x3FA9]  }
0x30: {  	s3 =	sld [smem:$0x3FAC]  }
0x31: {  	[smem:$0x3FB5] =	sst s10  }
0x32: {  	s10 =	sld [smem:$0x3FB3];
	_ =	sdelay $0x3  }
0x33: {  	p0 =	seq.s32 s10, $0x1;
	s10 =	sld [smem:$0x3FB5];
	_ =	sdelay $0x3  }
0x34: {  	[smem:$0x3FB5] =	sst s10  }
0x35: {  	s10 =	sld [smem:$0x3FB4];
	_ =	sdelay $0x3  }
0x36: {  	p1 =	seq.s32 s10, $0x1;
	s10 =	sld [smem:$0x3FB5];
	_ =	sdelay $0x3  }
0x37: {  	[smem:$0x3FB5] =	sst s10  }
0x38: {  	s10 =	sld [smem:$0x3FB6]  }
0x39: {  	_ = 	snop;
	(pc) =	sbr.ind lr, $3  }
0x3a: {  	_ = 	snop  }
0x3b: {  	_ = 	snop  }
0x3c: {  	p2 =	seq.s32 s10, $0x1;
	s10 =	sld [smem:$0x3FB5]  }
0x3d: {  	_ =	shalt  }
0x3e: {  	_ =	shalt  }
0x3f: {  	_ =	shalt  }
0x40: {  	_ =	shalt  }
0x41: {  	_ =	shalt  }
0x42: {  	_ =	shalt  }
0x43: {  	_ =	shalt  }
0x44: {  	_ =	shalt  }
0x45: {  	_ =	shalt  }
0x46: {  	_ =	shalt  }
0x47: {  	_ =	shalt  }
0x48: {  	_ =	shalt  }
0x49: {  	_ =	shalt  }
0x4a: {  	_ =	shalt  }
0x4b: {  	_ =	shalt  }
0x4c: {  	_ =	shalt  }
0x4d: {  	_ =	shalt  }
0x4e: {  	_ =	shalt  }
0x4f: {  	_ =	shalt  }
0x50: {  	_ =	shalt  }
0x51: {  	_ =	shalt  }
0x52: {  	_ =	shalt  }
0x53: {  	_ =	shalt  }
0x54: {  	_ =	shalt  }
0x55: {  	_ =	shalt  }
0x56: {  	_ =	shalt  }
0x57: {  	_ =	shalt  }
0x58: {  	_ =	shalt  }
0x59: {  	_ =	shalt  }
0x5a: {  	_ =	shalt  }
0x5b: {  	_ =	shalt  }
0x5c: {  	_ =	shalt  }
0x5d: {  	_ =	shalt  }
0x5e: {  	_ =	shalt  }
0x5f: {  	_ =	shalt  }
0x60: {  	_ =	shalt  }
0x61: {  	_ =	shalt  }
0x62: {  	_ =	shalt  }
0x63: {  	_ =	shalt  }
0x64: {  	_ =	shalt  }
0x65: {  	_ =	shalt  }
0x66: {  	_ =	shalt  }
0x67: {  	_ =	shalt  }
0x68: {  	_ =	shalt  }
0x69: {  	_ =	shalt  }
0x6a: {  	_ =	shalt  }
0x6b: {  	_ =	shalt  }
0x6c: {  	_ =	shalt  }
0x6d: {  	_ =	shalt  }
0x6e: {  	_ =	shalt  }
0x6f: {  	_ =	shalt  }
0x70: {  	_ =	shalt  }
0x71: {  	_ =	shalt  }
0x72: {  	_ =	shalt  }
0x73: {  	_ =	shalt  }
0x74: {  	_ =	shalt  }
0x75: {  	_ =	shalt  }
0x76: {  	_ =	shalt  }
0x77: {  	_ =	shalt  }
0x78: {  	_ =	shalt  }
0x79: {  	_ =	shalt  }
0x7a: {  	_ =	shalt  }
0x7b: {  	_ =	shalt  }
0x7c: {  	_ =	shalt  }
0x7d: {  	_ =	shalt  }
0x7e: {  	_ =	shalt  }
0x7f: {  	_ =	shalt  }
0x80: {  	_ =	shalt  }
0x81: {  	_ =	shalt  }
0x82: {  	_ =	shalt  }
0x83: {  	_ =	shalt  }
0x84: {  	_ =	shalt  }
0x85: {  	_ =	shalt  }
0x86: {  	_ =	shalt  }
0x87: {  	_ =	shalt  }
.Lfunc_end0:
.L_simem_size_0:
called_computation_lowered:
.L_overlay_start_0:
0x88: {  	s2 =	sld [smem:$0x3FD9]  }
0x89: {  	s3 =	sld [smem:$0x3FFE];
	_ =	sdelay $0x1  }
0x8a: {  	s1 =	srdreg.scid  }
0x8b: {  	s0 =	sand.u32 $0x1, s1  }
0x8c: {  	s17 =	sshll.u32 s0, $0xA;
	s2 =	sadd.s32 s3, s2  }
0x8d: {  	s2 =	sadd.s32 s2, s17  }
0x8e: {  	[smem:$0x3FC1] =	sst s2  }
0x8f: {  	_ = 	snop  }
0x90: {  	s2 =	sld [smem:$0x3FD0];
	(tm) =	ssettm $0x1  }
0x91: {  	s18 =	sld [smem:$0x3FFB];
	_ =	sdelay $0x3  }
0x92: {  	_ =	strace s18  }
0x93: {  	s3 =	sld [smem:$0x3FFC];
	_ =	sdelay $0x3  }
0x94: {  	_ =	strace s3  }
0x95: {  	s3 =	sld [smem:$0x3FFD];
	_ =	sdelay $0x3  }
0x96: {  	_ =	strace s3  }
0x97: {  	_ =	strace $0x8FFFFFFF  }
0x98: {  	s19 =	sld [smem:$0x3FDB];
	_ =	sdelay $0x1  }
0x99: {  	s4 =	simm.s32 $_scs_section_size  }
0x9a: {  	s5 =	simm.s32 $_size__tile_overlayer_lowered;
	s6 =	simm.s32 $_tile_overlayer_lowered  }
0x9b: {  	s22 =	simm.s32 $0x1BFF;
	s21 =	sshll.u32 s6, $0x1;
	s3 =	sadd.s32 s4, s19  }
0x9c: {  	s7 =	simm.s32 $0x0;
	s20 =	sshll.u32 s5, $0x1;
	s5 =	sadd.s32 s21, s3  }
0x9d: {  	[timem:s7], [sflag:s22] =	dma.local [hbm:s5], s20  }
0x9e: {  	_ =	swait.ge [sflag:s22], s20  }
0x9f: {  	s4 =	ssub.s32 $0x0, s20;
	[sflag:s22] =	ssyncset.done $0x0  }
0xa0: {  	[sflag:s22] =	ssyncadd.s32 s4;
	_ =	sdelay $0x1  }
0xa1: {  	s23 =	simm.s32 $0x1B8B  }
0xa2: {  	_ =	swait.ge [sflag:s23], $0x1  }
0xa3: {  	[sflag:s23] =	ssyncset.done $0x0  }
0xa4: {  	s25 =	simm.s32 $0x1B8E;
	s24 =	sld [smem:$0x3FFE];
	[sflag:s23] =	ssyncadd.s32 $0xFFFFFFFF  }
0xa5: {  	s26 =	simm.s32 $execute0_lowered;
	[smem:$0x3FD2] =	sst s25  }
0xa6: {  	s5 =	sshll.u32 s26, $0x1;
	_ =	strace $0x80000046;
	[dreg:$0x1] =	wrdreg $0xFFFFFFFF  }
0xa7: {  	s28 =	simm.s32 $_size_execute0_lowered;
	s3 =	sadd.s32 s3, s5;
	[dreg:$0x0] =	wrdreg $0x0  }
0xa8: {  	s5 =	sshll.u32 s28, $0x1;
	[dreg:$0x2] =	wrdreg s3  }
0xa9: {  	[dreg:$0x3] =	wrdreg s5  }
0xaa: {  	[dreg:$0x4] =	wrdreg $0xC0  }
0xab: {  	_ =	task [dreg:s7], $0x5FFFF  }
0xac: {  	[dreg:$0x1] =	wrdreg $0xFFFFFFFF  }
0xad: {  	[dreg:$0x0] =	wrdreg $0x60  }
0xae: {  	[dreg:$0x2] =	wrdreg s2  }
0xaf: {  	[dreg:$0x3] =	wrdreg s24  }
0xb0: {  	[dreg:$0x4] =	wrdreg $0x9  }
0xb1: {  	_ =	task.clear_ibuf [dreg:s7], $0x5FFFF;
	_ =	strace $0x90000046  }
0xb2: {  	s29 =	simm.s32 $0x9;
	_ =	strace $0x80000048  }
0xb3: {  	_ =	swait.ge [sflag:s29], $0x1  }
0xb4: {  	[sflag:s29] =	ssyncadd.s32 $0xFFFFFFFF  }
0xb5: {  	_ =	strace $0x90000048  }
0xb6: {  	_ =	sfence  }
0xb7: {  	s30 =	sld [smem:$0x0];
	_ =	sdelay $0x2  }
0xb8: {  	s31 =	sshll.u32 s1, $0xD;
	s1 =	sshrl.u32 s1, $0x2  }
0xb9: {  	s3 =	sand.u32 $0x4000, s31;
	s1 =	sadd.s32 s1, s30  }
0xba: {  	s0 =	sor.u32 s3, s0;
	s1 =	sshll.u32 s1, $0x11  }
0xbb: {  	s0 =	sor.u32 s1, s0  }
0xbc: {  	s0 =	sadd.s32 $0x8F2B, s0  }
0xbd: {  	[sflag:s0] =	ssyncadd.remote.s32 $0x1  }
0xbe: {  	_ =	sfence.sel $0xFFFF  }
0xbf: {  	[dreg:$0x0] =	wrdreg $0xFFFFFFFF;
	(pc) =	sbr.abs _section_cstart, $3  }
0xc0: {  	[dreg:$0x1] =	wrdreg $0xFFFFFFFF  }
0xc1: {  	_ =	task.clear_ibuf [dreg:s7], $0x2FFFF;
	_ =	strace $0x9FFFFFFF  }
0xc2: {  	(tm) =	ssettm $0x7FFFFFFF  }
0xc3: {  	_ =	shalt  }
tec
execute0_lowered:
.L_overlay_start_1:
0x0: {  	(tag) =	ssettag $0x1  }
0x1: {  	s0 =	rddreg [dreg:$0x1];
	s2 =	simm.s32 $0x0  }
0x2: {  	s1 =	srdreg.scid;
	s7 =	stileid.u32;
	s9 =	simm.s32 $0x7  }
0x3: {  	s10 =	simm.s32 $0x80;
	s12 =	simm.s32 $0x100;
	s13 =	simm.s32 $0x4080  }
0x4: {  	s14 =	simm.s32 $0x180;
	s15 =	simm.s32 $0x6080;
	s16 =	simm.s32 $0x200  }
0x5: {  	s17 =	simm.s32 $0x8080;
	s18 =	simm.s32 $0x1;
	s19 =	simm.s32 $0xA080  }
0x6: {  	s20 =	simm.s32 $0x2;
	s21 =	simm.s32 $0xA880;
	s22 =	simm.s32 $0x3  }
0x7: {  	s23 =	simm.s32 $0x5;
	s24 =	simm.s32 $0x4;
	s1 =	sand.u32 $0x1, s1  }
0x8: {  	s25 =	simm.s32 $0x6;
	[smem:$0x7FF] =	sst s2;
	s3 =	ssub.s32 $0x2, s1  }
0x9: {  	s4 =	sadd.s32 $0x1000, s0;
	s5 =	sadd.s32 $0xF43400, s0;
	s6 =	sshrl.u32 s3, $0x1  }
0xa: {  	s7 =	sshll.u32 s7, $0x3;
	s1 =	sshll.u32 s1, $0x2;
	s3 =	ssub.s32 s3, s6  }
0xb: {  	_ =	strace $0x80000047;
	s7 =	sor.u32 s1, s7;
	s31 =	smax.u32 s3, $0x1  }
0xc: {  	s1 =	simm.s32 $0x0;
	s6 =	sadd.s32 $0x21000, s0;
	[dreg:$0x3] =	wrdreg s31  }
.LBB2_1:
0xd: {  	[dreg:$0x4] =	wrdreg s1;
	s28 =	simm.s32 $0x0  }
.LBB2_2:
0xe: {  	s0 =	sadd.s32 s7, s28  }
0xf: {  	s3 =	rddreg [dreg:$0x0];
	s1 =	sshll.u32 s0, $0x3  }
0x10: {  	s29 =	simm.s32 $0x0;
	s1 =	sadd.s32 s3, s1  }
0x11: {  	[tilespmem:s29], [sflag:$0x7] =	stream.linear.gather [hbm4b:s1+s29], $0x40, $0x38;
	[tilespmem:$0xB080] =	vst v63  }
0x12: {  	_ =	swait.ge [sflag:s9], $0x40  }
0x13: {  	s8 =	sshll.u32 s0, $0xA;
	[sflag:s9] =	ssyncset.done $0x0  }
0x14: {  	s1 =	sadd.s32 s4, s8;
	[sflag:s9] =	ssyncadd.s32 $0xFFFFFFC0  }
0x15: {  	[tilespmem:s10], [sflag:$0x7] =	stream.linear.gather [hbm4b:s1+s29], $0x2000, $0x38;
	[tilespmem:$0xB080] =	vst v63  }
0x16: {  	_ =	swait.ge [sflag:s9], $0x2000  }
0x17: {  	[sflag:s9] =	ssyncset.done $0x0  }
0x18: {  	[sflag:s9] =	ssyncadd.s32 $0xFFFFE000  }
0x19: {  	v0 =	vld [tilespmem:$0x0]  }
0x1a: {  	v1 =	vld [tilespmem:$0x10]  }
0x1b: {  	s11 =	simm.s32 $0x2080;
	v2 =	vld [tilespmem:$0x20]  }
0x1c: {  	v3 =	vld [tilespmem:$0x30];
	[tilespmem:s11], [sflag:$0x1] =	stream.indirect.gather [hbm4b:s5+s10], $0x40, s10, s10, $0xb8  }
0x1d: {  	_ = 	snop  }
0x1e: {  	[tilespmem:s13], [sflag:$0x2] =	stream.indirect.gather [hbm4b:s5+s10], $0x40, s12, s10, $0xb8;
	[tilespmem:$0xB080] =	vst v63  }
0x1f: {  	s26 =	sshll.u32 s0, $0xE  }
0x20: {  	[tilespmem:s15], [sflag:$0x3] =	stream.indirect.gather [hbm4b:s5+s10], $0x40, s14, s10, $0xb8;
	[tilespmem:$0xB080] =	vst v63  }
0x21: {  	s30 =	sshll.u32 s0, $0xD;
	s31 =	sadd.s32 s6, s26  }
0x22: {  	[tilespmem:s17], [sflag:$0x4] =	stream.indirect.gather [hbm4b:s5+s10], $0x40, s16, s10, $0xb8;
	[tilespmem:$0xB080] =	vst v63  }
.LBB2_3:
0x23: {  	_ =	swait.ge [sflag:s18], $0x2000  }
0x24: {  	p1 =	seq.s32 s29, $0x0;
	[sflag:s18] =	ssyncset.done $0x0  }
0x25: {  	s0 =	simm.s32 @!p1 $0x5;
	[sflag:s18] =	ssyncadd.s32 $0xFFFFE000  }
0x26: {  	_ =	swait.ge @!p1 [sflag:s0], $0x800  }
0x27: {  	[sflag:s0] =	ssyncset.done @!p1 $0x0  }
0x28: {  	[sflag:s0] =	ssyncadd.s32 @!p1 $0xFFFFF800;
	s0 =	simm.s32 $0x2100  }
0x29: {  	v4 =	vld [tilespmem:s0+$0xFFFFFF80]  }
0x2a: {  	v5 =	vld [tilespmem:s0+$0xFFFFFFB0]  }
0x2b: {  	v6 =	vld [tilespmem:s0+$0xFFFFFFA0]  }
0x2c: {  	v7 =	vld [tilespmem:s0+$0xFFFFFF90];
	_ =	sdelay $0x3  }
0x2d: {  	v4 =	vmul.f32 v4, v0;
	v6 =	vmul.f32 v6, v2  }
0x2e: {  	v7 =	vmul.f32 v7, v1;
	v5 =	vmul.f32 v5, v3;
	_ =	sdelay $0x1  }
0x2f: {  	v4 =	vadd.f32 v6, v4;
	v5 =	vadd.f32 v5, v7;
	_ =	sdelay $0x1  }
0x30: {  	v4 =	vadd.f32 v5, v4  }
0x31: {  	s3 =	simm.s32 $0x0  }
0x32: {  	[tilespmem:s3+$0xA080] =	vst v4  }
0x33: {  	v4 =	vld [tilespmem:s0+$0xFFFFFFF0]  }
0x34: {  	v5 =	vld [tilespmem:s0+$0xFFFFFFE0]  }
0x35: {  	v6 =	vld [tilespmem:s0+$0xFFFFFFD0]  }
0x36: {  	v7 =	vld [tilespmem:s0+$0xFFFFFFC0];
	_ =	sdelay $0x3  }
0x37: {  	v4 =	vmul.f32 v4, v3;
	v5 =	vmul.f32 v5, v2  }
0x38: {  	v6 =	vmul.f32 v6, v1;
	v7 =	vmul.f32 v7, v0;
	_ =	sdelay $0x1  }
0x39: {  	v4 =	vadd.f32 v4, v6;
	v5 =	vadd.f32 v5, v7;
	_ =	sdelay $0x1  }
0x3a: {  	v4 =	vadd.f32 v4, v5;
	_ =	sdelay $0x1  }
0x3b: {  	[tilespmem:s3+$0xA090] =	vst v4  }
0x3c: {  	v4 =	vld [tilespmem:s0+$0x0]  }
0x3d: {  	v5 =	vld [tilespmem:s0+$0x10]  }
0x3e: {  	v6 =	vld [tilespmem:s0+$0x20]  }
0x3f: {  	v7 =	vld [tilespmem:s0+$0x30];
	_ =	sdelay $0x3  }
0x40: {  	v5 =	vmul.f32 v5, v1;
	v6 =	vmul.f32 v6, v2  }
0x41: {  	v4 =	vmul.f32 v4, v0;
	v7 =	vmul.f32 v7, v3;
	_ =	sdelay $0x1  }
0x42: {  	v4 =	vadd.f32 v6, v4;
	v5 =	vadd.f32 v7, v5;
	_ =	sdelay $0x1  }
0x43: {  	v4 =	vadd.f32 v5, v4;
	_ =	sdelay $0x1  }
0x44: {  	[tilespmem:s3+$0xA0A0] =	vst v4  }
0x45: {  	v7 =	vld [tilespmem:s0+$0x40]  }
0x46: {  	v4 =	vld [tilespmem:s0+$0x70]  }
0x47: {  	v5 =	vld [tilespmem:s0+$0x60]  }
0x48: {  	s8 =	sshll.u32 s29, $0xB;
	s26 =	simm.s32 $0x100;
	v6 =	vld [tilespmem:s0+$0x50]  }
.LBB2_4:
0x49: {  	p0 =	sne.s32 s26, $0x1F00  }
0x4a: {  	s0 =	sadd.s32 $0x100, s0;
	s1 =	smov.u32 s26;
	s26 =	sadd.s32 $0x100, s26;
	v7 =	vmul.f32 v7, v0  }
0x4b: {  	v4 =	vmul.f32 v4, v3  }
0x4c: {  	v5 =	vmul.f32 v5, v2  }
0x4d: {  	v6 =	vmul.f32 v6, v1  }
0x4e: {  	v5 =	vadd.f32 v5, v7  }
0x4f: {  	v4 =	vadd.f32 v4, v6;
	_ =	sdelay $0x1  }
0x50: {  	v4 =	vadd.f32 v4, v5;
	_ =	sdelay $0x1  }
0x51: {  	[tilespmem:s3+$0xA0B0] =	vst v4  }
0x52: {  	v4 =	vld [tilespmem:s0+$0xFFFFFF80]  }
0x53: {  	v5 =	vld [tilespmem:s0+$0xFFFFFFB0]  }
0x54: {  	v6 =	vld [tilespmem:s0+$0xFFFFFFA0]  }
0x55: {  	v7 =	vld [tilespmem:s0+$0xFFFFFF90];
	_ =	sdelay $0x3  }
0x56: {  	v4 =	vmul.f32 v4, v0;
	v6 =	vmul.f32 v6, v2  }
0x57: {  	v5 =	vmul.f32 v5, v3;
	v7 =	vmul.f32 v7, v1;
	_ =	sdelay $0x1  }
0x58: {  	v4 =	vadd.f32 v6, v4;
	v5 =	vadd.f32 v5, v7;
	_ =	sdelay $0x1  }
0x59: {  	v4 =	vadd.f32 v5, v4  }
0x5a: {  	s3 =	sshra.s32 s1, $0x2  }
0x5b: {  	[tilespmem:s3+$0xA080] =	vst v4  }
0x5c: {  	v4 =	vld [tilespmem:s0+$0xFFFFFFF0]  }
0x5d: {  	v5 =	vld [tilespmem:s0+$0xFFFFFFE0]  }
0x5e: {  	v6 =	vld [tilespmem:s0+$0xFFFFFFD0]  }
0x5f: {  	v7 =	vld [tilespmem:s0+$0xFFFFFFC0];
	_ =	sdelay $0x1  }
0x60: {  	v4 =	vmul.f32 v4, v3  }
0x61: {  	v5 =	vmul.f32 v5, v2  }
0x62: {  	v6 =	vmul.f32 v6, v1  }
0x63: {  	v7 =	vmul.f32 v7, v0  }
0x64: {  	v4 =	vadd.f32 v4, v6  }
0x65: {  	v5 =	vadd.f32 v5, v7;
	_ =	sdelay $0x1  }
0x66: {  	v4 =	vadd.f32 v4, v5;
	_ =	sdelay $0x1  }
0x67: {  	[tilespmem:s3+$0xA090] =	vst v4  }
0x68: {  	v4 =	vld [tilespmem:s0+$0x0]  }
0x69: {  	v5 =	vld [tilespmem:s0+$0x10]  }
0x6a: {  	v6 =	vld [tilespmem:s0+$0x20]  }
0x6b: {  	v7 =	vld [tilespmem:s0+$0x30];
	_ =	sdelay $0x2  }
0x6c: {  	v5 =	vmul.f32 v5, v1  }
0x6d: {  	v6 =	vmul.f32 v6, v2  }
0x6e: {  	v4 =	vmul.f32 v4, v0;
	v7 =	vmul.f32 v7, v3;
	_ =	sdelay $0x1  }
0x6f: {  	v4 =	vadd.f32 v6, v4;
	v5 =	vadd.f32 v7, v5;
	_ =	sdelay $0x1  }
0x70: {  	v4 =	vadd.f32 v5, v4;
	_ =	sdelay $0x1  }
.Ltmp0:
0x71: {  	[tilespmem:s3+$0xA0A0] =	vst v4;
	(pc) =	sbr.rel @p0 .LBB2_4-.Ltmp0, $4  }
0x72: {  	v7 =	vld [tilespmem:s0+$0x40]  }
0x73: {  	v4 =	vld [tilespmem:s0+$0x70]  }
0x74: {  	v5 =	vld [tilespmem:s0+$0x60]  }
0x75: {  	v6 =	vld [tilespmem:s0+$0x50]  }
0x76: {  	_ =	sdelay $0x2  }
0x77: {  	v7 =	vmul.f32 v7, v0;
	v4 =	vmul.f32 v4, v3  }
0x78: {  	v5 =	vmul.f32 v5, v2;
	v6 =	vmul.f32 v6, v1;
	_ =	sdelay $0x1  }
0x79: {  	v5 =	vadd.f32 v5, v7;
	v4 =	vadd.f32 v4, v6;
	_ =	sdelay $0x1  }
0x7a: {  	p0 =	seq.s32 s29, $0xF;
	v4 =	vadd.f32 v4, v5  }
0x7b: {  	s26 =	sshll.u32 s29, $0xA;
	s0 =	sshrl.u32 @!p0 s8, $0x2  }
0x7c: {  	s8 =	simm.s32 @!p0 $0x2080;
	s1 =	sadd.s32 @!p0 $0x280, s0;
	[tilespmem:s3+$0xA0B0] =	vst v4;
	s3 =	simm.s32 @!p0 $0x80  }
0x7d: {  	[tilespmem:s8], [sflag:$0x1] =	stream.indirect.gather @!p0 [hbm4b:s5+s3], $0x40, s1, s3, $0xb8;
	[tilespmem:$0xB080] =	vst v63  }
0x7e: {  	s1 =	sadd.s32 s26, s31  }
0x7f: {  	[hbm4b:s1+s2] =	stream.linear.scatter [tilespmem:s19], [sflag:$0x5], $0x800, $0x38;
	[tilespmem:$0xB080] =	vst v63  }
0x80: {  	_ =	swait.ge [sflag:s20], $0x2000  }
0x81: {  	[sflag:s20] =	ssyncset.done $0x0  }
0x82: {  	s1 =	simm.s32 @!p1 $0x6;
	[sflag:s20] =	ssyncadd.s32 $0xFFFFE000  }
0x83: {  	_ =	swait.ge @!p1 [sflag:s1], $0x800  }
0x84: {  	[sflag:s1] =	ssyncset.done @!p1 $0x0  }
0x85: {  	s3 =	simm.s32 $0x4100;
	[sflag:s1] =	ssyncadd.s32 @!p1 $0xFFFFF800  }
0x86: {  	v4 =	vld [tilespmem:s3+$0xFFFFFF80]  }
0x87: {  	v5 =	vld [tilespmem:s3+$0xFFFFFFB0]  }
0x88: {  	v6 =	vld [tilespmem:s3+$0xFFFFFFA0]  }
0x89: {  	v7 =	vld [tilespmem:s3+$0xFFFFFF90];
	_ =	sdelay $0x3  }
0x8a: {  	v4 =	vmul.f32 v4, v0;
	v6 =	vmul.f32 v6, v2  }
0x8b: {  	v7 =	vmul.f32 v7, v1;
	v5 =	vmul.f32 v5, v3;
	_ =	sdelay $0x1  }
0x8c: {  	v4 =	vadd.f32 v6, v4;
	v5 =	vadd.f32 v5, v7;
	_ =	sdelay $0x1  }
0x8d: {  	v4 =	vadd.f32 v5, v4  }
0x8e: {  	s8 =	simm.s32 $0x0  }
0x8f: {  	[tilespmem:s8+$0xA880] =	vst v4  }
0x90: {  	v4 =	vld [tilespmem:s3+$0xFFFFFFF0]  }
0x91: {  	v5 =	vld [tilespmem:s3+$0xFFFFFFE0]  }
0x92: {  	v6 =	vld [tilespmem:s3+$0xFFFFFFD0]  }
0x93: {  	v7 =	vld [tilespmem:s3+$0xFFFFFFC0];
	_ =	sdelay $0x3  }
0x94: {  	v4 =	vmul.f32 v4, v3;
	v5 =	vmul.f32 v5, v2  }
0x95: {  	v6 =	vmul.f32 v6, v1;
	v7 =	vmul.f32 v7, v0;
	_ =	sdelay $0x1  }
0x96: {  	v4 =	vadd.f32 v4, v6;
	v5 =	vadd.f32 v5, v7;
	_ =	sdelay $0x1  }
0x97: {  	v4 =	vadd.f32 v4, v5;
	_ =	sdelay $0x1  }
0x98: {  	[tilespmem:s8+$0xA890] =	vst v4  }
0x99: {  	v4 =	vld [tilespmem:s3+$0x0]  }
0x9a: {  	v5 =	vld [tilespmem:s3+$0x10]  }
0x9b: {  	v6 =	vld [tilespmem:s3+$0x20]  }
0x9c: {  	v7 =	vld [tilespmem:s3+$0x30];
	_ =	sdelay $0x3  }
0x9d: {  	v5 =	vmul.f32 v5, v1;
	v6 =	vmul.f32 v6, v2  }
0x9e: {  	v4 =	vmul.f32 v4, v0;
	v7 =	vmul.f32 v7, v3;
	_ =	sdelay $0x1  }
0x9f: {  	v4 =	vadd.f32 v6, v4;
	v5 =	vadd.f32 v7, v5;
	_ =	sdelay $0x1  }
0xa0: {  	v4 =	vadd.f32 v5, v4;
	_ =	sdelay $0x1  }
0xa1: {  	[tilespmem:s8+$0xA8A0] =	vst v4  }
0xa2: {  	v7 =	vld [tilespmem:s3+$0x40]  }
0xa3: {  	v4 =	vld [tilespmem:s3+$0x70]  }
0xa4: {  	v5 =	vld [tilespmem:s3+$0x60]  }
0xa5: {  	s26 =	simm.s32 $0x100;
	v6 =	vld [tilespmem:s3+$0x50]  }
.LBB2_6:
0xa6: {  	p1 =	sne.s32 s26, $0x1F00  }
0xa7: {  	s3 =	sadd.s32 $0x100, s3;
	s1 =	smov.u32 s26;
	s26 =	sadd.s32 $0x100, s26;
	v7 =	vmul.f32 v7, v0  }
0xa8: {  	v4 =	vmul.f32 v4, v3  }
0xa9: {  	v5 =	vmul.f32 v5, v2  }
0xaa: {  	v6 =	vmul.f32 v6, v1  }
0xab: {  	v5 =	vadd.f32 v5, v7  }
0xac: {  	v4 =	vadd.f32 v4, v6;
	_ =	sdelay $0x1  }
0xad: {  	v4 =	vadd.f32 v4, v5;
	_ =	sdelay $0x1  }
0xae: {  	[tilespmem:s8+$0xA8B0] =	vst v4  }
0xaf: {  	v4 =	vld [tilespmem:s3+$0xFFFFFF80]  }
0xb0: {  	v5 =	vld [tilespmem:s3+$0xFFFFFFB0]  }
0xb1: {  	v6 =	vld [tilespmem:s3+$0xFFFFFFA0]  }
0xb2: {  	v7 =	vld [tilespmem:s3+$0xFFFFFF90];
	_ =	sdelay $0x3  }
0xb3: {  	v4 =	vmul.f32 v4, v0;
	v6 =	vmul.f32 v6, v2  }
0xb4: {  	v5 =	vmul.f32 v5, v3;
	v7 =	vmul.f32 v7, v1;
	_ =	sdelay $0x1  }
0xb5: {  	v4 =	vadd.f32 v6, v4;
	v5 =	vadd.f32 v5, v7;
	_ =	sdelay $0x1  }
0xb6: {  	v4 =	vadd.f32 v5, v4  }
0xb7: {  	s8 =	sshra.s32 s1, $0x2  }
0xb8: {  	[tilespmem:s8+$0xA880] =	vst v4  }
0xb9: {  	v4 =	vld [tilespmem:s3+$0xFFFFFFF0]  }
0xba: {  	v5 =	vld [tilespmem:s3+$0xFFFFFFE0]  }
0xbb: {  	v6 =	vld [tilespmem:s3+$0xFFFFFFD0]  }
0xbc: {  	v7 =	vld [tilespmem:s3+$0xFFFFFFC0];
	_ =	sdelay $0x1  }
0xbd: {  	v4 =	vmul.f32 v4, v3  }
0xbe: {  	v5 =	vmul.f32 v5, v2  }
0xbf: {  	v6 =	vmul.f32 v6, v1  }
0xc0: {  	v7 =	vmul.f32 v7, v0  }
0xc1: {  	v4 =	vadd.f32 v4, v6  }
0xc2: {  	v5 =	vadd.f32 v5, v7;
	_ =	sdelay $0x1  }
0xc3: {  	v4 =	vadd.f32 v4, v5;
	_ =	sdelay $0x1  }
0xc4: {  	[tilespmem:s8+$0xA890] =	vst v4  }
0xc5: {  	v4 =	vld [tilespmem:s3+$0x0]  }
0xc6: {  	v5 =	vld [tilespmem:s3+$0x10]  }
0xc7: {  	v6 =	vld [tilespmem:s3+$0x20]  }
0xc8: {  	v7 =	vld [tilespmem:s3+$0x30];
	_ =	sdelay $0x2  }
0xc9: {  	v5 =	vmul.f32 v5, v1  }
0xca: {  	v6 =	vmul.f32 v6, v2  }
0xcb: {  	v4 =	vmul.f32 v4, v0;
	v7 =	vmul.f32 v7, v3;
	_ =	sdelay $0x1  }
0xcc: {  	v4 =	vadd.f32 v6, v4;
	v5 =	vadd.f32 v7, v5;
	_ =	sdelay $0x1  }
0xcd: {  	v4 =	vadd.f32 v5, v4;
	_ =	sdelay $0x1  }
.Ltmp1:
0xce: {  	[tilespmem:s8+$0xA8A0] =	vst v4;
	(pc) =	sbr.rel @p1 .LBB2_6-.Ltmp1, $4  }
0xcf: {  	v7 =	vld [tilespmem:s3+$0x40]  }
0xd0: {  	v4 =	vld [tilespmem:s3+$0x70]  }
0xd1: {  	v5 =	vld [tilespmem:s3+$0x60]  }
0xd2: {  	v6 =	vld [tilespmem:s3+$0x50]  }
0xd3: {  	_ =	sdelay $0x2  }
0xd4: {  	v7 =	vmul.f32 v7, v0;
	v4 =	vmul.f32 v4, v3  }
0xd5: {  	v5 =	vmul.f32 v5, v2;
	v6 =	vmul.f32 v6, v1;
	_ =	sdelay $0x1  }
0xd6: {  	v5 =	vadd.f32 v5, v7;
	v4 =	vadd.f32 v4, v6;
	_ =	sdelay $0x1  }
0xd7: {  	v4 =	vadd.f32 v4, v5  }
0xd8: {  	s1 =	sadd.s32 @!p0 $0x300, s0  }
0xd9: {  	s3 =	simm.s32 @!p0 $0x80;
	s11 =	sshll.u32 s29, $0x9;
	[tilespmem:s8+$0xA8B0] =	vst v4;
	s8 =	simm.s32 @!p0 $0x4080  }
0xda: {  	[tilespmem:s8], [sflag:$0x2] =	stream.indirect.gather @!p0 [hbm4b:s5+s3], $0x40, s1, s3, $0xb8;
	[tilespmem:$0xB080] =	vst v63  }
0xdb: {  	s1 =	sadd.s32 s11, s30  }
0xdc: {  	s3 =	sshll.u32 s1, $0x1  }
0xdd: {  	s1 =	sadd.s32 $0x100, s3  }
0xde: {  	s1 =	sand.u32 $0x1FFFFD00, s1  }
0xdf: {  	s26 =	simm.s32 $0x0;
	s1 =	sadd.s32 s6, s1  }
0xe0: {  	[hbm4b:s1+s26] =	stream.linear.scatter [tilespmem:s21], [sflag:$0x6], $0x800, $0x38;
	[tilespmem:$0xB080] =	vst v63  }
0xe1: {  	_ =	swait.ge [sflag:s22], $0x2000  }
0xe2: {  	[sflag:s22] =	ssyncset.done $0x0  }
0xe3: {  	[sflag:s22] =	ssyncadd.s32 $0xFFFFE000  }
0xe4: {  	_ =	swait.ge [sflag:s23], $0x800  }
0xe5: {  	[sflag:s23] =	ssyncset.done $0x0  }
0xe6: {  	s8 =	simm.s32 $0x6100;
	[sflag:s23] =	ssyncadd.s32 $0xFFFFF800  }
0xe7: {  	v4 =	vld [tilespmem:s8+$0xFFFFFF80]  }
0xe8: {  	v5 =	vld [tilespmem:s8+$0xFFFFFFB0]  }
0xe9: {  	v6 =	vld [tilespmem:s8+$0xFFFFFFA0]  }
0xea: {  	v7 =	vld [tilespmem:s8+$0xFFFFFF90];
	_ =	sdelay $0x3  }
0xeb: {  	v4 =	vmul.f32 v4, v0;
	v6 =	vmul.f32 v6, v2  }
0xec: {  	v7 =	vmul.f32 v7, v1;
	v5 =	vmul.f32 v5, v3;
	_ =	sdelay $0x1  }
0xed: {  	v4 =	vadd.f32 v6, v4;
	v5 =	vadd.f32 v5, v7;
	_ =	sdelay $0x1  }
0xee: {  	v4 =	vadd.f32 v5, v4  }
0xef: {  	s26 =	simm.s32 $0x0  }
0xf0: {  	[tilespmem:s26+$0xA080] =	vst v4  }
0xf1: {  	v4 =	vld [tilespmem:s8+$0xFFFFFFF0]  }
0xf2: {  	v5 =	vld [tilespmem:s8+$0xFFFFFFE0]  }
0xf3: {  	v6 =	vld [tilespmem:s8+$0xFFFFFFD0]  }
0xf4: {  	v7 =	vld [tilespmem:s8+$0xFFFFFFC0];
	_ =	sdelay $0x3  }
0xf5: {  	v4 =	vmul.f32 v4, v3;
	v5 =	vmul.f32 v5, v2  }
0xf6: {  	v6 =	vmul.f32 v6, v1;
	v7 =	vmul.f32 v7, v0;
	_ =	sdelay $0x1  }
0xf7: {  	v4 =	vadd.f32 v4, v6;
	v5 =	vadd.f32 v5, v7;
	_ =	sdelay $0x1  }
0xf8: {  	v4 =	vadd.f32 v4, v5;
	_ =	sdelay $0x1  }
0xf9: {  	[tilespmem:s26+$0xA090] =	vst v4  }
0xfa: {  	v4 =	vld [tilespmem:s8+$0x0]  }
0xfb: {  	v5 =	vld [tilespmem:s8+$0x10]  }
0xfc: {  	v6 =	vld [tilespmem:s8+$0x20]  }
0xfd: {  	v7 =	vld [tilespmem:s8+$0x30];
	_ =	sdelay $0x3  }
0xfe: {  	v5 =	vmul.f32 v5, v1;
	v6 =	vmul.f32 v6, v2  }
0xff: {  	v4 =	vmul.f32 v4, v0;
	v7 =	vmul.f32 v7, v3;
	_ =	sdelay $0x1  }
0x100: {  	v4 =	vadd.f32 v6, v4;
	v5 =	vadd.f32 v7, v5;
	_ =	sdelay $0x1  }
0x101: {  	v4 =	vadd.f32 v5, v4;
	_ =	sdelay $0x1  }
0x102: {  	[tilespmem:s26+$0xA0A0] =	vst v4  }
0x103: {  	v7 =	vld [tilespmem:s8+$0x40]  }
0x104: {  	v4 =	vld [tilespmem:s8+$0x70]  }
0x105: {  	v5 =	vld [tilespmem:s8+$0x60]  }
0x106: {  	s1 =	simm.s32 $0x100;
	v6 =	vld [tilespmem:s8+$0x50]  }
.LBB2_8:
0x107: {  	p1 =	sne.s32 s1, $0x1F00  }
0x108: {  	s8 =	sadd.s32 $0x100, s8;
	s11 =	smov.u32 s1;
	s1 =	sadd.s32 $0x100, s1;
	v7 =	vmul.f32 v7, v0  }
0x109: {  	v4 =	vmul.f32 v4, v3  }
0x10a: {  	v5 =	vmul.f32 v5, v2  }
0x10b: {  	v6 =	vmul.f32 v6, v1  }
0x10c: {  	v5 =	vadd.f32 v5, v7  }
0x10d: {  	v4 =	vadd.f32 v4, v6;
	_ =	sdelay $0x1  }
0x10e: {  	v4 =	vadd.f32 v4, v5;
	_ =	sdelay $0x1  }
0x10f: {  	[tilespmem:s26+$0xA0B0] =	vst v4  }
0x110: {  	v4 =	vld [tilespmem:s8+$0xFFFFFF80]  }
0x111: {  	v5 =	vld [tilespmem:s8+$0xFFFFFFB0]  }
0x112: {  	v6 =	vld [tilespmem:s8+$0xFFFFFFA0]  }
0x113: {  	v7 =	vld [tilespmem:s8+$0xFFFFFF90];
	_ =	sdelay $0x3  }
0x114: {  	v4 =	vmul.f32 v4, v0;
	v6 =	vmul.f32 v6, v2  }
0x115: {  	v5 =	vmul.f32 v5, v3;
	v7 =	vmul.f32 v7, v1;
	_ =	sdelay $0x1  }
0x116: {  	v4 =	vadd.f32 v6, v4;
	v5 =	vadd.f32 v5, v7;
	_ =	sdelay $0x1  }
0x117: {  	v4 =	vadd.f32 v5, v4  }
0x118: {  	s26 =	sshra.s32 s11, $0x2  }
0x119: {  	[tilespmem:s26+$0xA080] =	vst v4  }
0x11a: {  	v4 =	vld [tilespmem:s8+$0xFFFFFFF0]  }
0x11b: {  	v5 =	vld [tilespmem:s8+$0xFFFFFFE0]  }
0x11c: {  	v6 =	vld [tilespmem:s8+$0xFFFFFFD0]  }
0x11d: {  	v7 =	vld [tilespmem:s8+$0xFFFFFFC0];
	_ =	sdelay $0x1  }
0x11e: {  	v4 =	vmul.f32 v4, v3  }
0x11f: {  	v5 =	vmul.f32 v5, v2  }
0x120: {  	v6 =	vmul.f32 v6, v1  }
0x121: {  	v7 =	vmul.f32 v7, v0  }
0x122: {  	v4 =	vadd.f32 v4, v6  }
0x123: {  	v5 =	vadd.f32 v5, v7;
	_ =	sdelay $0x1  }
0x124: {  	v4 =	vadd.f32 v4, v5;
	_ =	sdelay $0x1  }
0x125: {  	[tilespmem:s26+$0xA090] =	vst v4  }
0x126: {  	v4 =	vld [tilespmem:s8+$0x0]  }
0x127: {  	v5 =	vld [tilespmem:s8+$0x10]  }
0x128: {  	v6 =	vld [tilespmem:s8+$0x20]  }
0x129: {  	v7 =	vld [tilespmem:s8+$0x30];
	_ =	sdelay $0x2  }
0x12a: {  	v5 =	vmul.f32 v5, v1  }
0x12b: {  	v6 =	vmul.f32 v6, v2  }
0x12c: {  	v4 =	vmul.f32 v4, v0;
	v7 =	vmul.f32 v7, v3;
	_ =	sdelay $0x1  }
0x12d: {  	v4 =	vadd.f32 v6, v4;
	v5 =	vadd.f32 v7, v5;
	_ =	sdelay $0x1  }
0x12e: {  	v4 =	vadd.f32 v5, v4;
	_ =	sdelay $0x1  }
.Ltmp2:
0x12f: {  	[tilespmem:s26+$0xA0A0] =	vst v4;
	(pc) =	sbr.rel @p1 .LBB2_8-.Ltmp2, $4  }
0x130: {  	v7 =	vld [tilespmem:s8+$0x40]  }
0x131: {  	v4 =	vld [tilespmem:s8+$0x70]  }
0x132: {  	v5 =	vld [tilespmem:s8+$0x60]  }
0x133: {  	v6 =	vld [tilespmem:s8+$0x50]  }
0x134: {  	_ =	sdelay $0x2  }
0x135: {  	v7 =	vmul.f32 v7, v0;
	v4 =	vmul.f32 v4, v3  }
0x136: {  	v5 =	vmul.f32 v5, v2;
	v6 =	vmul.f32 v6, v1;
	_ =	sdelay $0x1  }
0x137: {  	v5 =	vadd.f32 v5, v7;
	v4 =	vadd.f32 v4, v6;
	_ =	sdelay $0x1  }
0x138: {  	v4 =	vadd.f32 v4, v5;
	_ =	sdelay $0x1  }
0x139: {  	s1 =	sadd.s32 @!p0 $0x380, s0;
	s8 =	simm.s32 @!p0 $0x80;
	s11 =	simm.s32 @!p0 $0x6080;
	[tilespmem:s26+$0xA0B0] =	vst v4  }
0x13a: {  	[tilespmem:s11], [sflag:$0x3] =	stream.indirect.gather @!p0 [hbm4b:s5+s8], $0x40, s1, s8, $0xb8;
	[tilespmem:$0xB080] =	vst v63  }
0x13b: {  	s11 =	sadd.s32 $0x200, s3  }
0x13c: {  	s1 =	sand.u32 $0x1FFFFE00, s11  }
0x13d: {  	s26 =	simm.s32 $0x0;
	s1 =	sadd.s32 s6, s1  }
0x13e: {  	[hbm4b:s1+s26] =	stream.linear.scatter [tilespmem:s19], [sflag:$0x5], $0x800, $0x38;
	[tilespmem:$0xB080] =	vst v63  }
0x13f: {  	_ =	swait.ge [sflag:s24], $0x2000  }
0x140: {  	[sflag:s24] =	ssyncset.done $0x0  }
0x141: {  	[sflag:s24] =	ssyncadd.s32 $0xFFFFE000  }
0x142: {  	_ =	swait.ge [sflag:s25], $0x800  }
0x143: {  	[sflag:s25] =	ssyncset.done $0x0  }
0x144: {  	s8 =	simm.s32 $0x8100;
	[sflag:s25] =	ssyncadd.s32 $0xFFFFF800  }
0x145: {  	v4 =	vld [tilespmem:s8+$0xFFFFFF80]  }
0x146: {  	v5 =	vld [tilespmem:s8+$0xFFFFFFB0]  }
0x147: {  	v6 =	vld [tilespmem:s8+$0xFFFFFFA0]  }
0x148: {  	v7 =	vld [tilespmem:s8+$0xFFFFFF90];
	_ =	sdelay $0x3  }
0x149: {  	v4 =	vmul.f32 v4, v0;
	v6 =	vmul.f32 v6, v2  }
0x14a: {  	v7 =	vmul.f32 v7, v1;
	v5 =	vmul.f32 v5, v3;
	_ =	sdelay $0x1  }
0x14b: {  	v4 =	vadd.f32 v6, v4;
	v5 =	vadd.f32 v5, v7;
	_ =	sdelay $0x1  }
0x14c: {  	v4 =	vadd.f32 v5, v4  }
0x14d: {  	s26 =	simm.s32 $0x0  }
0x14e: {  	[tilespmem:s26+$0xA880] =	vst v4  }
0x14f: {  	v4 =	vld [tilespmem:s8+$0xFFFFFFF0]  }
0x150: {  	v5 =	vld [tilespmem:s8+$0xFFFFFFE0]  }
0x151: {  	v6 =	vld [tilespmem:s8+$0xFFFFFFD0]  }
0x152: {  	v7 =	vld [tilespmem:s8+$0xFFFFFFC0];
	_ =	sdelay $0x3  }
0x153: {  	v4 =	vmul.f32 v4, v3;
	v5 =	vmul.f32 v5, v2  }
0x154: {  	v6 =	vmul.f32 v6, v1;
	v7 =	vmul.f32 v7, v0;
	_ =	sdelay $0x1  }
0x155: {  	v4 =	vadd.f32 v4, v6;
	v5 =	vadd.f32 v5, v7;
	_ =	sdelay $0x1  }
0x156: {  	v4 =	vadd.f32 v4, v5;
	_ =	sdelay $0x1  }
0x157: {  	[tilespmem:s26+$0xA890] =	vst v4  }
0x158: {  	v4 =	vld [tilespmem:s8+$0x0]  }
0x159: {  	v5 =	vld [tilespmem:s8+$0x10]  }
0x15a: {  	v6 =	vld [tilespmem:s8+$0x20]  }
0x15b: {  	v7 =	vld [tilespmem:s8+$0x30];
	_ =	sdelay $0x3  }
0x15c: {  	v5 =	vmul.f32 v5, v1;
	v6 =	vmul.f32 v6, v2  }
0x15d: {  	v4 =	vmul.f32 v4, v0;
	v7 =	vmul.f32 v7, v3;
	_ =	sdelay $0x1  }
0x15e: {  	v4 =	vadd.f32 v6, v4;
	v5 =	vadd.f32 v7, v5;
	_ =	sdelay $0x1  }
0x15f: {  	v4 =	vadd.f32 v5, v4;
	_ =	sdelay $0x1  }
0x160: {  	[tilespmem:s26+$0xA8A0] =	vst v4  }
0x161: {  	v7 =	vld [tilespmem:s8+$0x40]  }
0x162: {  	v4 =	vld [tilespmem:s8+$0x70]  }
0x163: {  	v5 =	vld [tilespmem:s8+$0x60]  }
0x164: {  	s1 =	simm.s32 $0x100;
	v6 =	vld [tilespmem:s8+$0x50]  }
.LBB2_10:
0x165: {  	p1 =	sne.s32 s1, $0x1F00  }
0x166: {  	s8 =	sadd.s32 $0x100, s8;
	s11 =	smov.u32 s1;
	s1 =	sadd.s32 $0x100, s1;
	v7 =	vmul.f32 v7, v0  }
0x167: {  	v4 =	vmul.f32 v4, v3  }
0x168: {  	v5 =	vmul.f32 v5, v2  }
0x169: {  	v6 =	vmul.f32 v6, v1  }
0x16a: {  	v5 =	vadd.f32 v5, v7  }
0x16b: {  	v4 =	vadd.f32 v4, v6;
	_ =	sdelay $0x1  }
0x16c: {  	v4 =	vadd.f32 v4, v5;
	_ =	sdelay $0x1  }
0x16d: {  	[tilespmem:s26+$0xA8B0] =	vst v4  }
0x16e: {  	v4 =	vld [tilespmem:s8+$0xFFFFFF80]  }
0x16f: {  	v5 =	vld [tilespmem:s8+$0xFFFFFFB0]  }
0x170: {  	v6 =	vld [tilespmem:s8+$0xFFFFFFA0]  }
0x171: {  	v7 =	vld [tilespmem:s8+$0xFFFFFF90];
	_ =	sdelay $0x3  }
0x172: {  	v4 =	vmul.f32 v4, v0;
	v6 =	vmul.f32 v6, v2  }
0x173: {  	v5 =	vmul.f32 v5, v3;
	v7 =	vmul.f32 v7, v1;
	_ =	sdelay $0x1  }
0x174: {  	v4 =	vadd.f32 v6, v4;
	v5 =	vadd.f32 v5, v7;
	_ =	sdelay $0x1  }
0x175: {  	v4 =	vadd.f32 v5, v4  }
0x176: {  	s26 =	sshra.s32 s11, $0x2  }
0x177: {  	[tilespmem:s26+$0xA880] =	vst v4  }
0x178: {  	v4 =	vld [tilespmem:s8+$0xFFFFFFF0]  }
0x179: {  	v5 =	vld [tilespmem:s8+$0xFFFFFFE0]  }
0x17a: {  	v6 =	vld [tilespmem:s8+$0xFFFFFFD0]  }
0x17b: {  	v7 =	vld [tilespmem:s8+$0xFFFFFFC0];
	_ =	sdelay $0x1  }
0x17c: {  	v4 =	vmul.f32 v4, v3  }
0x17d: {  	v5 =	vmul.f32 v5, v2  }
0x17e: {  	v6 =	vmul.f32 v6, v1  }
0x17f: {  	v7 =	vmul.f32 v7, v0  }
0x180: {  	v4 =	vadd.f32 v4, v6  }
0x181: {  	v5 =	vadd.f32 v5, v7;
	_ =	sdelay $0x1  }
0x182: {  	v4 =	vadd.f32 v4, v5;
	_ =	sdelay $0x1  }
0x183: {  	[tilespmem:s26+$0xA890] =	vst v4  }
0x184: {  	v4 =	vld [tilespmem:s8+$0x0]  }
0x185: {  	v5 =	vld [tilespmem:s8+$0x10]  }
0x186: {  	v6 =	vld [tilespmem:s8+$0x20]  }
0x187: {  	v7 =	vld [tilespmem:s8+$0x30];
	_ =	sdelay $0x2  }
0x188: {  	v5 =	vmul.f32 v5, v1  }
0x189: {  	v6 =	vmul.f32 v6, v2  }
0x18a: {  	v4 =	vmul.f32 v4, v0;
	v7 =	vmul.f32 v7, v3;
	_ =	sdelay $0x1  }
0x18b: {  	v4 =	vadd.f32 v6, v4;
	v5 =	vadd.f32 v7, v5;
	_ =	sdelay $0x1  }
0x18c: {  	v4 =	vadd.f32 v5, v4;
	_ =	sdelay $0x1  }
.Ltmp3:
0x18d: {  	[tilespmem:s26+$0xA8A0] =	vst v4;
	(pc) =	sbr.rel @p1 .LBB2_10-.Ltmp3, $4  }
0x18e: {  	v7 =	vld [tilespmem:s8+$0x40]  }
0x18f: {  	v4 =	vld [tilespmem:s8+$0x70]  }
0x190: {  	v5 =	vld [tilespmem:s8+$0x60]  }
0x191: {  	v6 =	vld [tilespmem:s8+$0x50]  }
0x192: {  	_ =	sdelay $0x2  }
0x193: {  	v7 =	vmul.f32 v7, v0;
	v4 =	vmul.f32 v4, v3  }
0x194: {  	v5 =	vmul.f32 v5, v2;
	v6 =	vmul.f32 v6, v1;
	_ =	sdelay $0x1  }
0x195: {  	v5 =	vadd.f32 v5, v7;
	v4 =	vadd.f32 v4, v6;
	_ =	sdelay $0x1  }
0x196: {  	v4 =	vadd.f32 v4, v5  }
0x197: {  	s0 =	sadd.s32 @!p0 $0x400, s0  }
0x198: {  	s1 =	simm.s32 @!p0 $0x80;
	s8 =	simm.s32 @!p0 $0x8080;
	s29 =	sadd.s32 $0x1, s29;
	[tilespmem:s26+$0xA8B0] =	vst v4  }
0x199: {  	[tilespmem:s8], [sflag:$0x4] =	stream.indirect.gather @!p0 [hbm4b:s5+s1], $0x40, s0, s1, $0xb8;
	[tilespmem:$0xB080] =	vst v63  }
0x19a: {  	p0 =	sne.s32 s29, $0x10  }
.Ltmp4:
0x19b: {  	_ = 	snop;
	(pc) =	sbr.rel @p0 .LBB2_3-.Ltmp4, $4  }
0x19c: {  	s26 =	sadd.s32 $0x300, s3  }
0x19d: {  	s0 =	sand.u32 $0x1FFFFF00, s26  }
0x19e: {  	s0 =	sadd.s32 s6, s0  }
0x19f: {  	[hbm4b:s0+s2] =	stream.linear.scatter [tilespmem:s21], [sflag:$0x6], $0x800, $0x38;
	[tilespmem:$0xB080] =	vst v63  }
0x1a0: {  	s28 =	sadd.s32 $0x1, s28  }
0x1a1: {  	_ =	swait.ge [sflag:s23], $0x800;
	p0 =	sne.s32 s28, $0x4  }
.Ltmp5:
0x1a2: {  	[sflag:s23] =	ssyncset.done $0x0;
	(pc) =	sbr.rel @p0 .LBB2_2-.Ltmp5, $4  }
0x1a3: {  	[sflag:s23] =	ssyncadd.s32 $0xFFFFF800  }
0x1a4: {  	_ =	swait.ge [sflag:s25], $0x800  }
0x1a5: {  	[sflag:s25] =	ssyncset.done $0x0  }
0x1a6: {  	[sflag:s25] =	ssyncadd.s32 $0xFFFFF800  }
0x1a7: {  	s1 =	rddreg [dreg:$0x4]  }
0x1a8: {  	s0 =	rddreg [dreg:$0x3];
	s1 =	sadd.s32 $0x1, s1  }
0x1a9: {  	p0 =	sne.s32 s1, s0  }
.Ltmp6:
0x1aa: {  	_ = 	snop;
	(pc) =	sbr.rel @p0 .LBB2_1-.Ltmp6, $1  }
0x1ab: {  	_ =	sdelay $0x3  }
0x1ac: {  	_ =	sfence.sel $0x180000  }
0x1ad: {  	[bflag:$0x0] =	sbarrier.arrive $0xFFFF  }
0x1ae: {  	_ =	strace $0x90000047  }
0x1af: {  	s0 =	stileid.u32;
	[bflag:$0x2] =	sbarrier.arrive $0xFFFF  }
0x1b0: {  	p0 =	sne.s32 s0, $0x0;
	s0 =	rddreg [dreg:$0x2]  }
0x1b1: {  	s0 =	sadd.s32 @!p0 $0x100000, s0  }
0x1b2: {  	[sflag:s0] =	ssyncadd.tile.s32 @!p0 $0x1;
	_ =	shalt  }
.Lfunc_end2:
_tile_overlayer_lowered:
.L_overlay_start_2:
0x1b3: {  	(tag) =	ssettag $0x2  }
0x1b4: {  	s0 =	rddreg [dreg:$0x0];
	s2 =	stileid.u32  }
0x1b5: {  	s1 =	rddreg [dreg:$0x1];
	p0 =	sne.s32 s2, $0x0  }
0x1b6: {  	s3 =	rddreg [dreg:$0x2];
	[bflag:$0x3] =	sbarrier.arrive $0xFFFF;
	s2 =	simm.s32 @!p0 $0x1C07  }
0x1b7: {  	[timem:s3], [sflag:s2] =	dma.local @!p0 [hbm:s0], s1  }
0x1b8: {  	s0 =	simm.s32 @!p0 $0x7  }
0x1b9: {  	_ =	swait.ge @!p0 [sflag:s0], s1  }
0x1ba: {  	s1 =	ssub.s32 @!p0 $0x0, s1;
	[sflag:s0] =	ssyncset.done @!p0 $0x0  }
0x1bb: {  	[sflag:s0] =	ssyncadd.s32 @!p0 s1  }
0x1bc: {  	[bflag:$0x3] =	sbarrier.arrive $0xFFFF  }
0x1bd: {  	_ =	shalt  }

</sc_bundles>
